<compile_context>
chip_gen: v7x
topology: tpu7x:2x2x1
jax: 0.10.2.dev20260603
libtpu: 0.0.44.dev20260713+nightly
codegen_flags: <defaults>
</compile_context>

<pallas_src>
import jax
import jax.numpy as jnp
from jax import lax
from jax.experimental import pallas as pl
from jax.experimental.pallas import tpu as pltpu
from jax.experimental.pallas import tpu_sc as plsc

EMBED = 64
B = 16384
NEG = 64

_NC = 2
_NS = 16
_NW = _NC * _NS
_BPW = B // _NW
_CH = 128
_K = _BPW // _CH

_G = 8
_BLK = B // _G
_WPG = _BLK // _BPW


def _extract_column(tri_v, col, idx_v):
    lanes = lax.iota(jnp.int32, 16)
    cols = jnp.full((16,), col, jnp.int32)

    def step(k, _):
        rows = lanes + k * 16
        vals = plsc.load_gather(tri_v, [rows, cols])
        idx_v[pl.ds(k * 16, 16)] = vals
        return ()

    lax.fori_loop(0, _BPW // 16, step, ())


def _sc_user_body(h_hbm, ut_hbm, u_out, idx_v, rows_u, sem_u):
    c = lax.axis_index("c")
    s = lax.axis_index("s")
    wid = s * _NC + c
    base = wid * _BPW

    pltpu.sync_copy(h_hbm.at[pl.ds(base, _BPW)], idx_v)
    cps = [
        pltpu.async_copy(
            ut_hbm.at[idx_v.at[pl.ds(j * _CH, _CH)]],
            rows_u.at[pl.ds(j * _CH, _CH)], sem_u)
        for j in range(_K)
    ]
    for cp in cps:
        cp.wait()
    pltpu.sync_copy(rows_u, u_out.at[pl.ds(base, _BPW)])


def _sc_user_gather(h_idxs, user_table):
    mesh = plsc.VectorSubcoreMesh(core_axis_name="c", subcore_axis_name="s")
    return pl.kernel(
        _sc_user_body,
        out_type=jax.ShapeDtypeStruct((B, EMBED), jnp.float32),
        mesh=mesh,
        scratch_types=[
            pltpu.VMEM((_BPW,), jnp.int32),
            pltpu.VMEM((_BPW, EMBED), jnp.float32),
            pltpu.SemaphoreType.DMA,
        ],
        compiler_params=pltpu.CompilerParams(use_tc_tiling_on_sc=False),
    )(h_idxs, user_table)


def _sc_prod_body(t_hbm, pt_hbm, pb_hbm, ni_hbm,
                  t_out, b_out, n_out,
                  idx_v, rows_t, bias_v, nidx, nrows,
                  sem_t, sem_b, sem_n):
    c = lax.axis_index("c")
    s = lax.axis_index("s")
    wid = s * _NC + c
    base = wid * _BPW

    pltpu.sync_copy(t_hbm.at[pl.ds(base, _BPW)], idx_v)
    cps = []
    for j in range(_K):
        ids = idx_v.at[pl.ds(j * _CH, _CH)]
        cps.append(pltpu.async_copy(
            pt_hbm.at[ids], rows_t.at[pl.ds(j * _CH, _CH)], sem_t))
        cps.append(pltpu.async_copy(
            pb_hbm.at[ids], bias_v.at[pl.ds(j * _CH, _CH)], sem_b))

    @pl.when(wid == 0)
    def _():
        pltpu.sync_copy(ni_hbm, nidx)
        pltpu.async_copy(pt_hbm.at[nidx], nrows, sem_n).wait()
        pltpu.sync_copy(nrows, n_out)

    for cp in cps:
        cp.wait()
    pltpu.sync_copy(rows_t, t_out.at[pl.ds(base, _BPW)])
    pltpu.sync_copy(bias_v, b_out.at[pl.ds(base, _BPW)])



def _sc_prod_gather(t_idxs, product_table, purchase_bias, neg_idxs):
    mesh = plsc.VectorSubcoreMesh(core_axis_name="c", subcore_axis_name="s")
    return pl.kernel(
        _sc_prod_body,
        out_type=(
            jax.ShapeDtypeStruct((B, EMBED), jnp.float32),
            jax.ShapeDtypeStruct((B,), jnp.float32),
            jax.ShapeDtypeStruct((NEG, EMBED), jnp.float32),
        ),
        mesh=mesh,
        scratch_types=[
            pltpu.VMEM((_BPW,), jnp.int32),
            pltpu.VMEM((_BPW, EMBED), jnp.float32),
            pltpu.VMEM((_BPW,), jnp.float32),
            pltpu.VMEM((NEG,), jnp.int32),
            pltpu.VMEM((NEG, EMBED), jnp.float32),
            pltpu.SemaphoreType.DMA,
            pltpu.SemaphoreType.DMA,
            pltpu.SemaphoreType.DMA,
        ],
        compiler_params=pltpu.CompilerParams(use_tc_tiling_on_sc=False),
    )(t_idxs, product_table, purchase_bias.reshape(-1), neg_idxs)


def _softplus(x):
    return jnp.maximum(x, 0.0) + jnp.log1p(jnp.exp(-jnp.abs(x)))


def _tc_body(u_ref, t_ref, rel_ref, neg_ref, bias_ref, tri_ref, out_ref, acc_ref):
    i = pl.program_id(0)

    @pl.when(i == 0)
    def _():
        acc_ref[0] = 0.0
        acc_ref[1] = 0.0

    rel = rel_ref[0, :][None, :]
    neg = neg_ref[...]
    total = 0.0
    cnt = 0.0
    for half in range(2):
        sl = pl.ds(half * EMBED, EMBED)
        ex = u_ref[:, sl] + rel
        t = t_ref[:, sl]
        bias = bias_ref[:, half]
        pos = jnp.sum(ex * t, axis=1) + bias
        negl = lax.dot_general(ex, neg, (((1,), (1,)), ((), ())),
                               preferred_element_type=jnp.float32)
        negl = negl + bias[:, None]
        per_row = _softplus(-pos) + jnp.sum(_softplus(negl), axis=1)
        mask = (tri_ref[:, 3 * half + 1] == 0).astype(jnp.float32)
        total += jnp.sum(mask * per_row)
        cnt += jnp.sum(mask)
    acc_ref[0] += total
    acc_ref[1] += cnt

    @pl.when(i == _G - 1)
    def _():
        val = acc_ref[0] / jnp.maximum(acc_ref[1], 1.0) / B
        out_ref[...] = jnp.full((1, 1), val, jnp.float32)


def _tc_compute(u_rows, t_rows, purchase_rel, neg_rows, bias3, batch_triples):
    return pl.pallas_call(
        _tc_body,
        grid=(_G,),
        in_specs=[
            pl.BlockSpec((_BLK // 2, 2 * EMBED), lambda i: (i, 0)),
            pl.BlockSpec((_BLK // 2, 2 * EMBED), lambda i: (i, 0)),
            pl.BlockSpec((1, EMBED), lambda i: (0, 0)),
            pl.BlockSpec((NEG, EMBED), lambda i: (0, 0)),
            pl.BlockSpec((_BLK // 2, 2), lambda i: (i, 0)),
            pl.BlockSpec((_BLK // 2, 6), lambda i: (i, 0)),
        ],
        out_specs=pl.BlockSpec((1, 1), lambda i: (0, 0)),
        out_shape=jax.ShapeDtypeStruct((1, 1), jnp.float32),
        scratch_shapes=[pltpu.SMEM((2,), jnp.float32)],
        compiler_params=pltpu.CompilerParams(
            dimension_semantics=("arbitrary",),
        ),
    )(u_rows, t_rows, purchase_rel, neg_rows, bias3, batch_triples)


def kernel(batch_triples, user_table, product_table, purchase_rel, purchase_bias, neg_idxs):
    u_rows = _sc_user_gather(batch_triples[:, 0], user_table)
    t_rows, bias3, neg_rows = _sc_prod_gather(
        batch_triples[:, 2], product_table, purchase_bias, neg_idxs)
    loss = _tc_compute(u_rows.reshape(B // 2, 2 * EMBED),
                       t_rows.reshape(B // 2, 2 * EMBED),
                       purchase_rel, neg_rows,
                       bias3.reshape(B // 2, 2),
                       batch_triples.reshape(B // 2, 6))
    return loss[0, 0]

# --- scband reference (transcript-rebuilt; emitter-appended) ---
"""Pipeline reference for scband-knowledge-embedding-22737556865402 (READ-ONLY COPY).

The authoritative reference and input builder live on the scoring server;
editing this copy changes nothing except your own understanding.
"""

import jax, jax.numpy as jnp
import numpy as np

EMBED = 64
B = 16384
USER_V = 1000000
PROD_V = 100000
NEG = 64


def setup_inputs(seed: int = 0) -> dict:
    key = jax.random.key(seed)
    ks = jax.random.split(key, 6)
    initrange = 0.5 / EMBED
    user_table = jax.random.uniform(ks[0], (USER_V + 1, EMBED), minval=-initrange, maxval=initrange, dtype=jnp.float32)
    user_table = user_table.at[USER_V].set(0.0)
    product_table = jax.random.uniform(ks[1], (PROD_V + 1, EMBED), minval=-initrange, maxval=initrange, dtype=jnp.float32)
    product_table = product_table.at[PROD_V].set(0.0)
    purchase_rel = jax.random.uniform(ks[2], (1, EMBED), minval=-initrange, maxval=initrange, dtype=jnp.float32)
    purchase_bias = jnp.zeros((PROD_V + 1, 1), dtype=jnp.float32)
    h = jax.random.randint(ks[3], (B,), 0, USER_V, dtype=jnp.int32)
    r = jnp.zeros((B,), dtype=jnp.int32)
    t = jax.random.randint(ks[4], (B,), 0, PROD_V, dtype=jnp.int32)
    batch_triples = jnp.stack([h, r, t], axis=1)
    # stand-in for torch.multinomial(distrib, num_neg_samples, replacement=True)
    neg_idxs = jax.random.randint(ks[5], (NEG,), 0, PROD_V, dtype=jnp.int32)
    return {
        "batch_triples": batch_triples,
        "user_table": user_table,
        "product_table": product_table,
        "purchase_rel": purchase_rel,
        "purchase_bias": purchase_bias,
        "neg_idxs": neg_idxs,
    }


def reference(batch_triples, user_table, product_table, purchase_rel, purchase_bias, neg_idxs):
    h_idxs = batch_triples[:, 0]
    r_idxs = batch_triples[:, 1]
    t_idxs = batch_triples[:, 2]

    # neg_loss for relation 'purchase' (relation index 0): head=user, tail=product
    entity_head_vec = jnp.take(user_table, h_idxs, axis=0)          # [B, d]
    example_vec = entity_head_vec + purchase_rel                     # [B, d]
    entity_tail_vec = jnp.take(product_table, t_idxs, axis=0)       # [B, d]
    relation_bias = jnp.take(purchase_bias, t_idxs, axis=0)[:, 0]   # [B]

    pos_logits = jnp.sum(example_vec * entity_tail_vec, axis=1) + relation_bias
    pos_loss = -jax.nn.log_sigmoid(pos_logits)                       # [B]

    neg_vec = jnp.take(product_table, neg_idxs, axis=0)             # [NEG, d]
    neg_logits = example_vec @ neg_vec.T + relation_bias[:, None]   # [B, NEG]
    neg_loss = -jnp.sum(jax.nn.log_sigmoid(-neg_logits), axis=1)    # [B]

    # masked mean over triples whose relation index == 0 (unique-relation loop)
    mask = (r_idxs == 0).astype(jnp.float32)
    cnt = jnp.maximum(jnp.sum(mask), 1.0)
    rel_loss = jnp.sum(mask * (pos_loss + neg_loss)) / cnt

    # l2_lambda == 0.0 -> no regularization term
    loss = rel_loss / batch_triples.shape[0]
    return loss

if __name__ == "__main__":
    import jax
    _d = setup_inputs()
    print(jax.jit(kernel)(*tuple(_d.values())))

</pallas_src>

<mosaic_0001>
#map = affine_map<(d0, d1) -> (0)>
#map1 = affine_map<(d0, d1) -> (0, 0)>
module attributes {stable_mosaic.version = 14 : i64} {
  func.func @_sc_prod_body(%arg0: i32, %arg1: i32, %arg2: memref<16384xi32, #tpu.memory_space<hbm>>, %arg3: memref<100001x64xf32, #tpu.memory_space<hbm>>, %arg4: memref<100001xf32, #tpu.memory_space<hbm>>, %arg5: memref<64xi32, #tpu.memory_space<hbm>>, %arg6: memref<16384x64xf32, #tpu.memory_space<hbm>>, %arg7: memref<16384xf32, #tpu.memory_space<hbm>>, %arg8: memref<64x64xf32, #tpu.memory_space<hbm>>, %arg9: memref<512xi32, #tpu.memory_space<vmem>>, %arg10: memref<512x64xf32, #tpu.memory_space<vmem>>, %arg11: memref<512xf32, #tpu.memory_space<vmem>>, %arg12: memref<64xi32, #tpu.memory_space<vmem>>, %arg13: memref<64x64xf32, #tpu.memory_space<vmem>>, %arg14: memref<!tpu.dma_semaphore, #tpu.memory_space<semaphore_mem>>, %arg15: memref<!tpu.dma_semaphore, #tpu.memory_space<semaphore_mem>>, %arg16: memref<!tpu.dma_semaphore, #tpu.memory_space<semaphore_mem>>) attributes {dimension_semantics = [#tpu.dimension_semantics<core_parallel>, #tpu.dimension_semantics<subcore_parallel>], iteration_bounds = array<i64: 2, 16>, scalar_prefetch = 0 : i64, scratch_operands = 8 : i64, tpu.core_type = #tpu.core_type<sc_vector_subcore>, window_params = [{transform_indices = #map}, {transform_indices = #map1}, {transform_indices = #map}, {transform_indices = #map}, {transform_indices = #map1}, {transform_indices = #map}, {transform_indices = #map1}]} {
    %mul3A = arith.constant 2 : i32
    %mul3A_0 = arith.muli %arg1, %mul3A : i32
    %add3A = arith.addi %mul3A_0, %arg0 : i32
    %mul3A_1 = arith.constant 512 : i32
    %mul3A_2 = arith.muli %add3A, %mul3A_1 : i32
    "tpu.region"() ({
      %run_scoped3A = tpu.sem_alloc : memref<!tpu.dma_semaphore, #tpu.memory_space<semaphore_mem>>
      %dma_start3A_115 = tpu.memref_slice %arg2[%mul3A_2] : memref<16384xi32, #tpu.memory_space<hbm>> -> memref<512xi32, #tpu.memory_space<hbm>>
      %dma_start3A_116 = tpu.memref_slice %arg2[%mul3A_2] : memref<16384xi32, #tpu.memory_space<hbm>> -> memref<512xi32, #tpu.memory_space<hbm>>
      tpu.enqueue_dma source(%dma_start3A_116 : memref<512xi32, #tpu.memory_space<hbm>>) target(%arg9 : memref<512xi32, #tpu.memory_space<vmem>>) target_semaphore(%run_scoped3A : memref<!tpu.dma_semaphore, #tpu.memory_space<semaphore_mem>>)
      %dma_wait3A_117 = tpu.memref_slice %arg2[%mul3A_2] : memref<16384xi32, #tpu.memory_space<hbm>> -> memref<512xi32, #tpu.memory_space<hbm>>
      %dma_wait3A_118 = tpu.memref_slice %arg2[%mul3A_2] : memref<16384xi32, #tpu.memory_space<hbm>> -> memref<512xi32, #tpu.memory_space<hbm>>
      tpu.wait_dma2 semaphore(%run_scoped3A : memref<!tpu.dma_semaphore, #tpu.memory_space<semaphore_mem>>) src(%dma_wait3A_118 : memref<512xi32, #tpu.memory_space<hbm>>) dst(%arg9 : memref<512xi32, #tpu.memory_space<vmem>>)
      tpu.yield
    }) : () -> ()
    %dma_start3A = arith.constant 0 : i32
    %dma_start3A_3 = arith.constant 0 : i32
    %dma_start3A_4 = tpu.memref_slice %arg10[%dma_start3A, %dma_start3A_3] : memref<512x64xf32, #tpu.memory_space<vmem>> -> memref<128x64xf32, #tpu.memory_space<vmem>>
    %dma_start3A_5 = arith.constant 0 : i32
    %dma_start3A_6 = tpu.memref_slice %arg9[%dma_start3A_5] : memref<512xi32, #tpu.memory_space<vmem>> -> memref<128xi32, #tpu.memory_space<vmem>>
    %dma_start3A_7 = arith.constant 0 : i32
    %dma_start3A_8 = arith.constant 0 : i32
    %dma_start3A_9 = tpu.memref_slice %arg3[%dma_start3A_7, %dma_start3A_8] : memref<100001x64xf32, #tpu.memory_space<hbm>> -> memref<100001x64xf32, #tpu.memory_space<hbm>>
    tpu.enqueue_indirect_dma source(%dma_start3A_9 : memref<100001x64xf32, #tpu.memory_space<hbm>>) target(%dma_start3A_4 : memref<128x64xf32, #tpu.memory_space<vmem>>) offsets(%dma_start3A_6 : memref<128xi32, #tpu.memory_space<vmem>>) semaphore(%arg14 : memref<!tpu.dma_semaphore, #tpu.memory_space<semaphore_mem>>)
    %dma_start3A_10 = arith.constant 0 : i32
    %dma_start3A_11 = tpu.memref_slice %arg11[%dma_start3A_10] : memref<512xf32, #tpu.memory_space<vmem>> -> memref<128xf32, #tpu.memory_space<vmem>>
    %dma_start3A_12 = arith.constant 0 : i32
    %dma_start3A_13 = tpu.memref_slice %arg9[%dma_start3A_12] : memref<512xi32, #tpu.memory_space<vmem>> -> memref<128xi32, #tpu.memory_space<vmem>>
    %dma_start3A_14 = arith.constant 0 : i32
    %dma_start3A_15 = tpu.memref_slice %arg4[%dma_start3A_14] : memref<100001xf32, #tpu.memory_space<hbm>> -> memref<100001xf32, #tpu.memory_space<hbm>>
    tpu.enqueue_indirect_dma source(%dma_start3A_15 : memref<100001xf32, #tpu.memory_space<hbm>>) target(%dma_start3A_11 : memref<128xf32, #tpu.memory_space<vmem>>) offsets(%dma_start3A_13 : memref<128xi32, #tpu.memory_space<vmem>>) semaphore(%arg15 : memref<!tpu.dma_semaphore, #tpu.memory_space<semaphore_mem>>)
    %dma_start3A_16 = arith.constant 128 : i32
    %dma_start3A_17 = arith.constant 0 : i32
    %dma_start3A_18 = tpu.memref_slice %arg10[%dma_start3A_16, %dma_start3A_17] : memref<512x64xf32, #tpu.memory_space<vmem>> -> memref<128x64xf32, #tpu.memory_space<vmem>>
    %dma_start3A_19 = arith.constant 128 : i32
    %dma_start3A_20 = tpu.memref_slice %arg9[%dma_start3A_19] : memref<512xi32, #tpu.memory_space<vmem>> -> memref<128xi32, #tpu.memory_space<vmem>>
    %dma_start3A_21 = arith.constant 0 : i32
    %dma_start3A_22 = arith.constant 0 : i32
    %dma_start3A_23 = tpu.memref_slice %arg3[%dma_start3A_21, %dma_start3A_22] : memref<100001x64xf32, #tpu.memory_space<hbm>> -> memref<100001x64xf32, #tpu.memory_space<hbm>>
    tpu.enqueue_indirect_dma source(%dma_start3A_23 : memref<100001x64xf32, #tpu.memory_space<hbm>>) target(%dma_start3A_18 : memref<128x64xf32, #tpu.memory_space<vmem>>) offsets(%dma_start3A_20 : memref<128xi32, #tpu.memory_space<vmem>>) semaphore(%arg14 : memref<!tpu.dma_semaphore, #tpu.memory_space<semaphore_mem>>)
    %dma_start3A_24 = arith.constant 128 : i32
    %dma_start3A_25 = tpu.memref_slice %arg11[%dma_start3A_24] : memref<512xf32, #tpu.memory_space<vmem>> -> memref<128xf32, #tpu.memory_space<vmem>>
    %dma_start3A_26 = arith.constant 128 : i32
    %dma_start3A_27 = tpu.memref_slice %arg9[%dma_start3A_26] : memref<512xi32, #tpu.memory_space<vmem>> -> memref<128xi32, #tpu.memory_space<vmem>>
    %dma_start3A_28 = arith.constant 0 : i32
    %dma_start3A_29 = tpu.memref_slice %arg4[%dma_start3A_28] : memref<100001xf32, #tpu.memory_space<hbm>> -> memref<100001xf32, #tpu.memory_space<hbm>>
    tpu.enqueue_indirect_dma source(%dma_start3A_29 : memref<100001xf32, #tpu.memory_space<hbm>>) target(%dma_start3A_25 : memref<128xf32, #tpu.memory_space<vmem>>) offsets(%dma_start3A_27 : memref<128xi32, #tpu.memory_space<vmem>>) semaphore(%arg15 : memref<!tpu.dma_semaphore, #tpu.memory_space<semaphore_mem>>)
    %dma_start3A_30 = arith.constant 256 : i32
    %dma_start3A_31 = arith.constant 0 : i32
    %dma_start3A_32 = tpu.memref_slice %arg10[%dma_start3A_30, %dma_start3A_31] : memref<512x64xf32, #tpu.memory_space<vmem>> -> memref<128x64xf32, #tpu.memory_space<vmem>>
    %dma_start3A_33 = arith.constant 256 : i32
    %dma_start3A_34 = tpu.memref_slice %arg9[%dma_start3A_33] : memref<512xi32, #tpu.memory_space<vmem>> -> memref<128xi32, #tpu.memory_space<vmem>>
    %dma_start3A_35 = arith.constant 0 : i32
    %dma_start3A_36 = arith.constant 0 : i32
    %dma_start3A_37 = tpu.memref_slice %arg3[%dma_start3A_35, %dma_start3A_36] : memref<100001x64xf32, #tpu.memory_space<hbm>> -> memref<100001x64xf32, #tpu.memory_space<hbm>>
    tpu.enqueue_indirect_dma source(%dma_start3A_37 : memref<100001x64xf32, #tpu.memory_space<hbm>>) target(%dma_start3A_32 : memref<128x64xf32, #tpu.memory_space<vmem>>) offsets(%dma_start3A_34 : memref<128xi32, #tpu.memory_space<vmem>>) semaphore(%arg14 : memref<!tpu.dma_semaphore, #tpu.memory_space<semaphore_mem>>)
    %dma_start3A_38 = arith.constant 256 : i32
    %dma_start3A_39 = tpu.memref_slice %arg11[%dma_start3A_38] : memref<512xf32, #tpu.memory_space<vmem>> -> memref<128xf32, #tpu.memory_space<vmem>>
    %dma_start3A_40 = arith.constant 256 : i32
    %dma_start3A_41 = tpu.memref_slice %arg9[%dma_start3A_40] : memref<512xi32, #tpu.memory_space<vmem>> -> memref<128xi32, #tpu.memory_space<vmem>>
    %dma_start3A_42 = arith.constant 0 : i32
    %dma_start3A_43 = tpu.memref_slice %arg4[%dma_start3A_42] : memref<100001xf32, #tpu.memory_space<hbm>> -> memref<100001xf32, #tpu.memory_space<hbm>>
    tpu.enqueue_indirect_dma source(%dma_start3A_43 : memref<100001xf32, #tpu.memory_space<hbm>>) target(%dma_start3A_39 : memref<128xf32, #tpu.memory_space<vmem>>) offsets(%dma_start3A_41 : memref<128xi32, #tpu.memory_space<vmem>>) semaphore(%arg15 : memref<!tpu.dma_semaphore, #tpu.memory_space<semaphore_mem>>)
    %dma_start3A_44 = arith.constant 384 : i32
    %dma_start3A_45 = arith.constant 0 : i32
    %dma_start3A_46 = tpu.memref_slice %arg10[%dma_start3A_44, %dma_start3A_45] : memref<512x64xf32, #tpu.memory_space<vmem>> -> memref<128x64xf32, #tpu.memory_space<vmem>>
    %dma_start3A_47 = arith.constant 384 : i32
    %dma_start3A_48 = tpu.memref_slice %arg9[%dma_start3A_47] : memref<512xi32, #tpu.memory_space<vmem>> -> memref<128xi32, #tpu.memory_space<vmem>>
    %dma_start3A_49 = arith.constant 0 : i32
    %dma_start3A_50 = arith.constant 0 : i32
    %dma_start3A_51 = tpu.memref_slice %arg3[%dma_start3A_49, %dma_start3A_50] : memref<100001x64xf32, #tpu.memory_space<hbm>> -> memref<100001x64xf32, #tpu.memory_space<hbm>>
    tpu.enqueue_indirect_dma source(%dma_start3A_51 : memref<100001x64xf32, #tpu.memory_space<hbm>>) target(%dma_start3A_46 : memref<128x64xf32, #tpu.memory_space<vmem>>) offsets(%dma_start3A_48 : memref<128xi32, #tpu.memory_space<vmem>>) semaphore(%arg14 : memref<!tpu.dma_semaphore, #tpu.memory_space<semaphore_mem>>)
    %dma_start3A_52 = arith.constant 384 : i32
    %dma_start3A_53 = tpu.memref_slice %arg11[%dma_start3A_52] : memref<512xf32, #tpu.memory_space<vmem>> -> memref<128xf32, #tpu.memory_space<vmem>>
    %dma_start3A_54 = arith.constant 384 : i32
    %dma_start3A_55 = tpu.memref_slice %arg9[%dma_start3A_54] : memref<512xi32, #tpu.memory_space<vmem>> -> memref<128xi32, #tpu.memory_space<vmem>>
    %dma_start3A_56 = arith.constant 0 : i32
    %dma_start3A_57 = tpu.memref_slice %arg4[%dma_start3A_56] : memref<100001xf32, #tpu.memory_space<hbm>> -> memref<100001xf32, #tpu.memory_space<hbm>>
    tpu.enqueue_indirect_dma source(%dma_start3A_57 : memref<100001xf32, #tpu.memory_space<hbm>>) target(%dma_start3A_53 : memref<128xf32, #tpu.memory_space<vmem>>) offsets(%dma_start3A_55 : memref<128xi32, #tpu.memory_space<vmem>>) semaphore(%arg15 : memref<!tpu.dma_semaphore, #tpu.memory_space<semaphore_mem>>)
    %eq3A = arith.constant 0 : i32
    %eq3A_58 = arith.cmpi eq, %add3A, %eq3A : i32
    %convert_element_type3A = arith.extui %eq3A_58 : i1 to i32
    %cond3A = arith.constant 0 : i32
    %cond3A_59 = arith.cmpi ne, %convert_element_type3A, %cond3A : i32
    scf.if %cond3A_59 {
      "tpu.region"() ({
        %run_scoped3A = tpu.sem_alloc : memref<!tpu.dma_semaphore, #tpu.memory_space<semaphore_mem>>
        tpu.enqueue_dma source(%arg5 : memref<64xi32, #tpu.memory_space<hbm>>) target(%arg12 : memref<64xi32, #tpu.memory_space<vmem>>) target_semaphore(%run_scoped3A : memref<!tpu.dma_semaphore, #tpu.memory_space<semaphore_mem>>)
        tpu.wait_dma2 semaphore(%run_scoped3A : memref<!tpu.dma_semaphore, #tpu.memory_space<semaphore_mem>>) src(%arg5 : memref<64xi32, #tpu.memory_space<hbm>>) dst(%arg12 : memref<64xi32, #tpu.memory_space<vmem>>)
        tpu.yield
      }) : () -> ()
      %dma_start3A_115 = arith.constant 0 : i32
      %dma_start3A_116 = arith.constant 0 : i32
      %dma_start3A_117 = tpu.memref_slice %arg3[%dma_start3A_115, %dma_start3A_116] : memref<100001x64xf32, #tpu.memory_space<hbm>> -> memref<100001x64xf32, #tpu.memory_space<hbm>>
      tpu.enqueue_indirect_dma source(%dma_start3A_117 : memref<100001x64xf32, #tpu.memory_space<hbm>>) target(%arg13 : memref<64x64xf32, #tpu.memory_space<vmem>>) offsets(%arg12 : memref<64xi32, #tpu.memory_space<vmem>>) semaphore(%arg16 : memref<!tpu.dma_semaphore, #tpu.memory_space<semaphore_mem>>)
      %dma_wait3A_118 = arith.constant 0 : i32
      %dma_wait3A_119 = arith.constant 0 : i32
      %dma_wait3A_120 = tpu.memref_slice %arg3[%dma_wait3A_118, %dma_wait3A_119] : memref<100001x64xf32, #tpu.memory_space<hbm>> -> memref<100001x64xf32, #tpu.memory_space<hbm>>
      tpu.wait_indirect_dma semaphore(%arg16 : memref<!tpu.dma_semaphore, #tpu.memory_space<semaphore_mem>>) src(%dma_wait3A_120 : memref<100001x64xf32, #tpu.memory_space<hbm>>) dst(%arg13 : memref<64x64xf32, #tpu.memory_space<vmem>>)
      "tpu.region"() ({
        %run_scoped3A = tpu.sem_alloc : memref<!tpu.dma_semaphore, #tpu.memory_space<semaphore_mem>>
        tpu.enqueue_dma source(%arg13 : memref<64x64xf32, #tpu.memory_space<vmem>>) target(%arg8 : memref<64x64xf32, #tpu.memory_space<hbm>>) target_semaphore(%run_scoped3A : memref<!tpu.dma_semaphore, #tpu.memory_space<semaphore_mem>>)
        tpu.wait_dma2 semaphore(%run_scoped3A : memref<!tpu.dma_semaphore, #tpu.memory_space<semaphore_mem>>) src(%arg13 : memref<64x64xf32, #tpu.memory_space<vmem>>) dst(%arg8 : memref<64x64xf32, #tpu.memory_space<hbm>>)
        tpu.yield
      }) : () -> ()
    } else {
    }
    %dma_wait3A = arith.constant 0 : i32
    %dma_wait3A_60 = arith.constant 0 : i32
    %dma_wait3A_61 = tpu.memref_slice %arg10[%dma_wait3A, %dma_wait3A_60] : memref<512x64xf32, #tpu.memory_space<vmem>> -> memref<128x64xf32, #tpu.memory_space<vmem>>
    %dma_wait3A_62 = arith.constant 0 : i32
    %dma_wait3A_63 = tpu.memref_slice %arg9[%dma_wait3A_62] : memref<512xi32, #tpu.memory_space<vmem>> -> memref<128xi32, #tpu.memory_space<vmem>>
    %dma_wait3A_64 = arith.constant 0 : i32
    %dma_wait3A_65 = arith.constant 0 : i32
    %dma_wait3A_66 = tpu.memref_slice %arg3[%dma_wait3A_64, %dma_wait3A_65] : memref<100001x64xf32, #tpu.memory_space<hbm>> -> memref<100001x64xf32, #tpu.memory_space<hbm>>
    tpu.wait_indirect_dma semaphore(%arg14 : memref<!tpu.dma_semaphore, #tpu.memory_space<semaphore_mem>>) src(%dma_wait3A_66 : memref<100001x64xf32, #tpu.memory_space<hbm>>) dst(%dma_wait3A_61 : memref<128x64xf32, #tpu.memory_space<vmem>>)
    %dma_wait3A_67 = arith.constant 0 : i32
    %dma_wait3A_68 = tpu.memref_slice %arg11[%dma_wait3A_67] : memref<512xf32, #tpu.memory_space<vmem>> -> memref<128xf32, #tpu.memory_space<vmem>>
    %dma_wait3A_69 = arith.constant 0 : i32
    %dma_wait3A_70 = tpu.memref_slice %arg9[%dma_wait3A_69] : memref<512xi32, #tpu.memory_space<vmem>> -> memref<128xi32, #tpu.memory_space<vmem>>
    %dma_wait3A_71 = arith.constant 0 : i32
    %dma_wait3A_72 = tpu.memref_slice %arg4[%dma_wait3A_71] : memref<100001xf32, #tpu.memory_space<hbm>> -> memref<100001xf32, #tpu.memory_space<hbm>>
    tpu.wait_indirect_dma semaphore(%arg15 : memref<!tpu.dma_semaphore, #tpu.memory_space<semaphore_mem>>) src(%dma_wait3A_72 : memref<100001xf32, #tpu.memory_space<hbm>>) dst(%dma_wait3A_68 : memref<128xf32, #tpu.memory_space<vmem>>)
    %dma_wait3A_73 = arith.constant 128 : i32
    %dma_wait3A_74 = arith.constant 0 : i32
    %dma_wait3A_75 = tpu.memref_slice %arg10[%dma_wait3A_73, %dma_wait3A_74] : memref<512x64xf32, #tpu.memory_space<vmem>> -> memref<128x64xf32, #tpu.memory_space<vmem>>
    %dma_wait3A_76 = arith.constant 128 : i32
    %dma_wait3A_77 = tpu.memref_slice %arg9[%dma_wait3A_76] : memref<512xi32, #tpu.memory_space<vmem>> -> memref<128xi32, #tpu.memory_space<vmem>>
    %dma_wait3A_78 = arith.constant 0 : i32
    %dma_wait3A_79 = arith.constant 0 : i32
    %dma_wait3A_80 = tpu.memref_slice %arg3[%dma_wait3A_78, %dma_wait3A_79] : memref<100001x64xf32, #tpu.memory_space<hbm>> -> memref<100001x64xf32, #tpu.memory_space<hbm>>
    tpu.wait_indirect_dma semaphore(%arg14 : memref<!tpu.dma_semaphore, #tpu.memory_space<semaphore_mem>>) src(%dma_wait3A_80 : memref<100001x64xf32, #tpu.memory_space<hbm>>) dst(%dma_wait3A_75 : memref<128x64xf32, #tpu.memory_space<vmem>>)
    %dma_wait3A_81 = arith.constant 128 : i32
    %dma_wait3A_82 = tpu.memref_slice %arg11[%dma_wait3A_81] : memref<512xf32, #tpu.memory_space<vmem>> -> memref<128xf32, #tpu.memory_space<vmem>>
    %dma_wait3A_83 = arith.constant 128 : i32
    %dma_wait3A_84 = tpu.memref_slice %arg9[%dma_wait3A_83] : memref<512xi32, #tpu.memory_space<vmem>> -> memref<128xi32, #tpu.memory_space<vmem>>
    %dma_wait3A_85 = arith.constant 0 : i32
    %dma_wait3A_86 = tpu.memref_slice %arg4[%dma_wait3A_85] : memref<100001xf32, #tpu.memory_space<hbm>> -> memref<100001xf32, #tpu.memory_space<hbm>>
    tpu.wait_indirect_dma semaphore(%arg15 : memref<!tpu.dma_semaphore, #tpu.memory_space<semaphore_mem>>) src(%dma_wait3A_86 : memref<100001xf32, #tpu.memory_space<hbm>>) dst(%dma_wait3A_82 : memref<128xf32, #tpu.memory_space<vmem>>)
    %dma_wait3A_87 = arith.constant 256 : i32
    %dma_wait3A_88 = arith.constant 0 : i32
    %dma_wait3A_89 = tpu.memref_slice %arg10[%dma_wait3A_87, %dma_wait3A_88] : memref<512x64xf32, #tpu.memory_space<vmem>> -> memref<128x64xf32, #tpu.memory_space<vmem>>
    %dma_wait3A_90 = arith.constant 256 : i32
    %dma_wait3A_91 = tpu.memref_slice %arg9[%dma_wait3A_90] : memref<512xi32, #tpu.memory_space<vmem>> -> memref<128xi32, #tpu.memory_space<vmem>>
    %dma_wait3A_92 = arith.constant 0 : i32
    %dma_wait3A_93 = arith.constant 0 : i32
    %dma_wait3A_94 = tpu.memref_slice %arg3[%dma_wait3A_92, %dma_wait3A_93] : memref<100001x64xf32, #tpu.memory_space<hbm>> -> memref<100001x64xf32, #tpu.memory_space<hbm>>
    tpu.wait_indirect_dma semaphore(%arg14 : memref<!tpu.dma_semaphore, #tpu.memory_space<semaphore_mem>>) src(%dma_wait3A_94 : memref<100001x64xf32, #tpu.memory_space<hbm>>) dst(%dma_wait3A_89 : memref<128x64xf32, #tpu.memory_space<vmem>>)
    %dma_wait3A_95 = arith.constant 256 : i32
    %dma_wait3A_96 = tpu.memref_slice %arg11[%dma_wait3A_95] : memref<512xf32, #tpu.memory_space<vmem>> -> memref<128xf32, #tpu.memory_space<vmem>>
    %dma_wait3A_97 = arith.constant 256 : i32
    %dma_wait3A_98 = tpu.memref_slice %arg9[%dma_wait3A_97] : memref<512xi32, #tpu.memory_space<vmem>> -> memref<128xi32, #tpu.memory_space<vmem>>
    %dma_wait3A_99 = arith.constant 0 : i32
    %dma_wait3A_100 = tpu.memref_slice %arg4[%dma_wait3A_99] : memref<100001xf32, #tpu.memory_space<hbm>> -> memref<100001xf32, #tpu.memory_space<hbm>>
    tpu.wait_indirect_dma semaphore(%arg15 : memref<!tpu.dma_semaphore, #tpu.memory_space<semaphore_mem>>) src(%dma_wait3A_100 : memref<100001xf32, #tpu.memory_space<hbm>>) dst(%dma_wait3A_96 : memref<128xf32, #tpu.memory_space<vmem>>)
    %dma_wait3A_101 = arith.constant 384 : i32
    %dma_wait3A_102 = arith.constant 0 : i32
    %dma_wait3A_103 = tpu.memref_slice %arg10[%dma_wait3A_101, %dma_wait3A_102] : memref<512x64xf32, #tpu.memory_space<vmem>> -> memref<128x64xf32, #tpu.memory_space<vmem>>
    %dma_wait3A_104 = arith.constant 384 : i32
    %dma_wait3A_105 = tpu.memref_slice %arg9[%dma_wait3A_104] : memref<512xi32, #tpu.memory_space<vmem>> -> memref<128xi32, #tpu.memory_space<vmem>>
    %dma_wait3A_106 = arith.constant 0 : i32
    %dma_wait3A_107 = arith.constant 0 : i32
    %dma_wait3A_108 = tpu.memref_slice %arg3[%dma_wait3A_106, %dma_wait3A_107] : memref<100001x64xf32, #tpu.memory_space<hbm>> -> memref<100001x64xf32, #tpu.memory_space<hbm>>
    tpu.wait_indirect_dma semaphore(%arg14 : memref<!tpu.dma_semaphore, #tpu.memory_space<semaphore_mem>>) src(%dma_wait3A_108 : memref<100001x64xf32, #tpu.memory_space<hbm>>) dst(%dma_wait3A_103 : memref<128x64xf32, #tpu.memory_space<vmem>>)
    %dma_wait3A_109 = arith.constant 384 : i32
    %dma_wait3A_110 = tpu.memref_slice %arg11[%dma_wait3A_109] : memref<512xf32, #tpu.memory_space<vmem>> -> memref<128xf32, #tpu.memory_space<vmem>>
    %dma_wait3A_111 = arith.constant 384 : i32
    %dma_wait3A_112 = tpu.memref_slice %arg9[%dma_wait3A_111] : memref<512xi32, #tpu.memory_space<vmem>> -> memref<128xi32, #tpu.memory_space<vmem>>
    %dma_wait3A_113 = arith.constant 0 : i32
    %dma_wait3A_114 = tpu.memref_slice %arg4[%dma_wait3A_113] : memref<100001xf32, #tpu.memory_space<hbm>> -> memref<100001xf32, #tpu.memory_space<hbm>>
    tpu.wait_indirect_dma semaphore(%arg15 : memref<!tpu.dma_semaphore, #tpu.memory_space<semaphore_mem>>) src(%dma_wait3A_114 : memref<100001xf32, #tpu.memory_space<hbm>>) dst(%dma_wait3A_110 : memref<128xf32, #tpu.memory_space<vmem>>)
    "tpu.region"() ({
      %run_scoped3A = tpu.sem_alloc : memref<!tpu.dma_semaphore, #tpu.memory_space<semaphore_mem>>
      %dma_start3A_115 = arith.constant 0 : i32
      %dma_start3A_116 = tpu.memref_slice %arg6[%mul3A_2, %dma_start3A_115] : memref<16384x64xf32, #tpu.memory_space<hbm>> -> memref<512x64xf32, #tpu.memory_space<hbm>>
      %dma_start3A_117 = arith.constant 0 : i32
      %dma_start3A_118 = tpu.memref_slice %arg6[%mul3A_2, %dma_start3A_117] : memref<16384x64xf32, #tpu.memory_space<hbm>> -> memref<512x64xf32, #tpu.memory_space<hbm>>
      tpu.enqueue_dma source(%arg10 : memref<512x64xf32, #tpu.memory_space<vmem>>) target(%dma_start3A_118 : memref<512x64xf32, #tpu.memory_space<hbm>>) target_semaphore(%run_scoped3A : memref<!tpu.dma_semaphore, #tpu.memory_space<semaphore_mem>>)
      %dma_wait3A_119 = arith.constant 0 : i32
      %dma_wait3A_120 = tpu.memref_slice %arg6[%mul3A_2, %dma_wait3A_119] : memref<16384x64xf32, #tpu.memory_space<hbm>> -> memref<512x64xf32, #tpu.memory_space<hbm>>
      %dma_wait3A_121 = arith.constant 0 : i32
      %dma_wait3A_122 = tpu.memref_slice %arg6[%mul3A_2, %dma_wait3A_121] : memref<16384x64xf32, #tpu.memory_space<hbm>> -> memref<512x64xf32, #tpu.memory_space<hbm>>
      tpu.wait_dma2 semaphore(%run_scoped3A : memref<!tpu.dma_semaphore, #tpu.memory_space<semaphore_mem>>) src(%arg10 : memref<512x64xf32, #tpu.memory_space<vmem>>) dst(%dma_wait3A_122 : memref<512x64xf32, #tpu.memory_space<hbm>>)
      tpu.yield
    }) : () -> ()
    "tpu.region"() ({
      %run_scoped3A = tpu.sem_alloc : memref<!tpu.dma_semaphore, #tpu.memory_space<semaphore_mem>>
      %dma_start3A_115 = tpu.memref_slice %arg7[%mul3A_2] : memref<16384xf32, #tpu.memory_space<hbm>> -> memref<512xf32, #tpu.memory_space<hbm>>
      %dma_start3A_116 = tpu.memref_slice %arg7[%mul3A_2] : memref<16384xf32, #tpu.memory_space<hbm>> -> memref<512xf32, #tpu.memory_space<hbm>>
      tpu.enqueue_dma source(%arg11 : memref<512xf32, #tpu.memory_space<vmem>>) target(%dma_start3A_116 : memref<512xf32, #tpu.memory_space<hbm>>) target_semaphore(%run_scoped3A : memref<!tpu.dma_semaphore, #tpu.memory_space<semaphore_mem>>)
      %dma_wait3A_117 = tpu.memref_slice %arg7[%mul3A_2] : memref<16384xf32, #tpu.memory_space<hbm>> -> memref<512xf32, #tpu.memory_space<hbm>>
      %dma_wait3A_118 = tpu.memref_slice %arg7[%mul3A_2] : memref<16384xf32, #tpu.memory_space<hbm>> -> memref<512xf32, #tpu.memory_space<hbm>>
      tpu.wait_dma2 semaphore(%run_scoped3A : memref<!tpu.dma_semaphore, #tpu.memory_space<semaphore_mem>>) src(%arg11 : memref<512xf32, #tpu.memory_space<vmem>>) dst(%dma_wait3A_118 : memref<512xf32, #tpu.memory_space<hbm>>)
      tpu.yield
    }) : () -> ()
    return
  }
}

#map = affine_map<(d0, d1) -> (0)>
#map1 = affine_map<(d0, d1) -> (0, 0)>
module attributes {stable_mosaic.version = 14 : i64} {
  func.func @_sc_user_body(%arg0: i32, %arg1: i32, %arg2: memref<16384xi32, #tpu.memory_space<hbm>>, %arg3: memref<1000001x64xf32, #tpu.memory_space<hbm>>, %arg4: memref<16384x64xf32, #tpu.memory_space<hbm>>, %arg5: memref<512xi32, #tpu.memory_space<vmem>>, %arg6: memref<512x64xf32, #tpu.memory_space<vmem>>, %arg7: memref<!tpu.dma_semaphore, #tpu.memory_space<semaphore_mem>>) attributes {dimension_semantics = [#tpu.dimension_semantics<core_parallel>, #tpu.dimension_semantics<subcore_parallel>], iteration_bounds = array<i64: 2, 16>, scalar_prefetch = 0 : i64, scratch_operands = 3 : i64, tpu.core_type = #tpu.core_type<sc_vector_subcore>, window_params = [{transform_indices = #map}, {transform_indices = #map1}, {transform_indices = #map1}]} {
    %mul3A = arith.constant 2 : i32
    %mul3A_0 = arith.muli %arg1, %mul3A : i32
    %add3A = arith.addi %mul3A_0, %arg0 : i32
    %mul3A_1 = arith.constant 512 : i32
    %mul3A_2 = arith.muli %add3A, %mul3A_1 : i32
    "tpu.region"() ({
      %run_scoped3A = tpu.sem_alloc : memref<!tpu.dma_semaphore, #tpu.memory_space<semaphore_mem>>
      %dma_start3A_65 = tpu.memref_slice %arg2[%mul3A_2] : memref<16384xi32, #tpu.memory_space<hbm>> -> memref<512xi32, #tpu.memory_space<hbm>>
      %dma_start3A_66 = tpu.memref_slice %arg2[%mul3A_2] : memref<16384xi32, #tpu.memory_space<hbm>> -> memref<512xi32, #tpu.memory_space<hbm>>
      tpu.enqueue_dma source(%dma_start3A_66 : memref<512xi32, #tpu.memory_space<hbm>>) target(%arg5 : memref<512xi32, #tpu.memory_space<vmem>>) target_semaphore(%run_scoped3A : memref<!tpu.dma_semaphore, #tpu.memory_space<semaphore_mem>>)
      %dma_wait3A_67 = tpu.memref_slice %arg2[%mul3A_2] : memref<16384xi32, #tpu.memory_space<hbm>> -> memref<512xi32, #tpu.memory_space<hbm>>
      %dma_wait3A_68 = tpu.memref_slice %arg2[%mul3A_2] : memref<16384xi32, #tpu.memory_space<hbm>> -> memref<512xi32, #tpu.memory_space<hbm>>
      tpu.wait_dma2 semaphore(%run_scoped3A : memref<!tpu.dma_semaphore, #tpu.memory_space<semaphore_mem>>) src(%dma_wait3A_68 : memref<512xi32, #tpu.memory_space<hbm>>) dst(%arg5 : memref<512xi32, #tpu.memory_space<vmem>>)
      tpu.yield
    }) : () -> ()
    %dma_start3A = arith.constant 0 : i32
    %dma_start3A_3 = arith.constant 0 : i32
    %dma_start3A_4 = tpu.memref_slice %arg6[%dma_start3A, %dma_start3A_3] : memref<512x64xf32, #tpu.memory_space<vmem>> -> memref<128x64xf32, #tpu.memory_space<vmem>>
    %dma_start3A_5 = arith.constant 0 : i32
    %dma_start3A_6 = tpu.memref_slice %arg5[%dma_start3A_5] : memref<512xi32, #tpu.memory_space<vmem>> -> memref<128xi32, #tpu.memory_space<vmem>>
    %dma_start3A_7 = arith.constant 0 : i32
    %dma_start3A_8 = arith.constant 0 : i32
    %dma_start3A_9 = tpu.memref_slice %arg3[%dma_start3A_7, %dma_start3A_8] : memref<1000001x64xf32, #tpu.memory_space<hbm>> -> memref<1000001x64xf32, #tpu.memory_space<hbm>>
    tpu.enqueue_indirect_dma source(%dma_start3A_9 : memref<1000001x64xf32, #tpu.memory_space<hbm>>) target(%dma_start3A_4 : memref<128x64xf32, #tpu.memory_space<vmem>>) offsets(%dma_start3A_6 : memref<128xi32, #tpu.memory_space<vmem>>) semaphore(%arg7 : memref<!tpu.dma_semaphore, #tpu.memory_space<semaphore_mem>>)
    %dma_start3A_10 = arith.constant 128 : i32
    %dma_start3A_11 = arith.constant 0 : i32
    %dma_start3A_12 = tpu.memref_slice %arg6[%dma_start3A_10, %dma_start3A_11] : memref<512x64xf32, #tpu.memory_space<vmem>> -> memref<128x64xf32, #tpu.memory_space<vmem>>
    %dma_start3A_13 = arith.constant 128 : i32
    %dma_start3A_14 = tpu.memref_slice %arg5[%dma_start3A_13] : memref<512xi32, #tpu.memory_space<vmem>> -> memref<128xi32, #tpu.memory_space<vmem>>
    %dma_start3A_15 = arith.constant 0 : i32
    %dma_start3A_16 = arith.constant 0 : i32
    %dma_start3A_17 = tpu.memref_slice %arg3[%dma_start3A_15, %dma_start3A_16] : memref<1000001x64xf32, #tpu.memory_space<hbm>> -> memref<1000001x64xf32, #tpu.memory_space<hbm>>
    tpu.enqueue_indirect_dma source(%dma_start3A_17 : memref<1000001x64xf32, #tpu.memory_space<hbm>>) target(%dma_start3A_12 : memref<128x64xf32, #tpu.memory_space<vmem>>) offsets(%dma_start3A_14 : memref<128xi32, #tpu.memory_space<vmem>>) semaphore(%arg7 : memref<!tpu.dma_semaphore, #tpu.memory_space<semaphore_mem>>)
    %dma_start3A_18 = arith.constant 256 : i32
    %dma_start3A_19 = arith.constant 0 : i32
    %dma_start3A_20 = tpu.memref_slice %arg6[%dma_start3A_18, %dma_start3A_19] : memref<512x64xf32, #tpu.memory_space<vmem>> -> memref<128x64xf32, #tpu.memory_space<vmem>>
    %dma_start3A_21 = arith.constant 256 : i32
    %dma_start3A_22 = tpu.memref_slice %arg5[%dma_start3A_21] : memref<512xi32, #tpu.memory_space<vmem>> -> memref<128xi32, #tpu.memory_space<vmem>>
    %dma_start3A_23 = arith.constant 0 : i32
    %dma_start3A_24 = arith.constant 0 : i32
    %dma_start3A_25 = tpu.memref_slice %arg3[%dma_start3A_23, %dma_start3A_24] : memref<1000001x64xf32, #tpu.memory_space<hbm>> -> memref<1000001x64xf32, #tpu.memory_space<hbm>>
    tpu.enqueue_indirect_dma source(%dma_start3A_25 : memref<1000001x64xf32, #tpu.memory_space<hbm>>) target(%dma_start3A_20 : memref<128x64xf32, #tpu.memory_space<vmem>>) offsets(%dma_start3A_22 : memref<128xi32, #tpu.memory_space<vmem>>) semaphore(%arg7 : memref<!tpu.dma_semaphore, #tpu.memory_space<semaphore_mem>>)
    %dma_start3A_26 = arith.constant 384 : i32
    %dma_start3A_27 = arith.constant 0 : i32
    %dma_start3A_28 = tpu.memref_slice %arg6[%dma_start3A_26, %dma_start3A_27] : memref<512x64xf32, #tpu.memory_space<vmem>> -> memref<128x64xf32, #tpu.memory_space<vmem>>
    %dma_start3A_29 = arith.constant 384 : i32
    %dma_start3A_30 = tpu.memref_slice %arg5[%dma_start3A_29] : memref<512xi32, #tpu.memory_space<vmem>> -> memref<128xi32, #tpu.memory_space<vmem>>
    %dma_start3A_31 = arith.constant 0 : i32
    %dma_start3A_32 = arith.constant 0 : i32
    %dma_start3A_33 = tpu.memref_slice %arg3[%dma_start3A_31, %dma_start3A_32] : memref<1000001x64xf32, #tpu.memory_space<hbm>> -> memref<1000001x64xf32, #tpu.memory_space<hbm>>
    tpu.enqueue_indirect_dma source(%dma_start3A_33 : memref<1000001x64xf32, #tpu.memory_space<hbm>>) target(%dma_start3A_28 : memref<128x64xf32, #tpu.memory_space<vmem>>) offsets(%dma_start3A_30 : memref<128xi32, #tpu.memory_space<vmem>>) semaphore(%arg7 : memref<!tpu.dma_semaphore, #tpu.memory_space<semaphore_mem>>)
    %dma_wait3A = arith.constant 0 : i32
    %dma_wait3A_34 = arith.constant 0 : i32
    %dma_wait3A_35 = tpu.memref_slice %arg6[%dma_wait3A, %dma_wait3A_34] : memref<512x64xf32, #tpu.memory_space<vmem>> -> memref<128x64xf32, #tpu.memory_space<vmem>>
    %dma_wait3A_36 = arith.constant 0 : i32
    %dma_wait3A_37 = tpu.memref_slice %arg5[%dma_wait3A_36] : memref<512xi32, #tpu.memory_space<vmem>> -> memref<128xi32, #tpu.memory_space<vmem>>
    %dma_wait3A_38 = arith.constant 0 : i32
    %dma_wait3A_39 = arith.constant 0 : i32
    %dma_wait3A_40 = tpu.memref_slice %arg3[%dma_wait3A_38, %dma_wait3A_39] : memref<1000001x64xf32, #tpu.memory_space<hbm>> -> memref<1000001x64xf32, #tpu.memory_space<hbm>>
    tpu.wait_indirect_dma semaphore(%arg7 : memref<!tpu.dma_semaphore, #tpu.memory_space<semaphore_mem>>) src(%dma_wait3A_40 : memref<1000001x64xf32, #tpu.memory_space<hbm>>) dst(%dma_wait3A_35 : memref<128x64xf32, #tpu.memory_space<vmem>>)
    %dma_wait3A_41 = arith.constant 128 : i32
    %dma_wait3A_42 = arith.constant 0 : i32
    %dma_wait3A_43 = tpu.memref_slice %arg6[%dma_wait3A_41, %dma_wait3A_42] : memref<512x64xf32, #tpu.memory_space<vmem>> -> memref<128x64xf32, #tpu.memory_space<vmem>>
    %dma_wait3A_44 = arith.constant 128 : i32
    %dma_wait3A_45 = tpu.memref_slice %arg5[%dma_wait3A_44] : memref<512xi32, #tpu.memory_space<vmem>> -> memref<128xi32, #tpu.memory_space<vmem>>
    %dma_wait3A_46 = arith.constant 0 : i32
    %dma_wait3A_47 = arith.constant 0 : i32
    %dma_wait3A_48 = tpu.memref_slice %arg3[%dma_wait3A_46, %dma_wait3A_47] : memref<1000001x64xf32, #tpu.memory_space<hbm>> -> memref<1000001x64xf32, #tpu.memory_space<hbm>>
    tpu.wait_indirect_dma semaphore(%arg7 : memref<!tpu.dma_semaphore, #tpu.memory_space<semaphore_mem>>) src(%dma_wait3A_48 : memref<1000001x64xf32, #tpu.memory_space<hbm>>) dst(%dma_wait3A_43 : memref<128x64xf32, #tpu.memory_space<vmem>>)
    %dma_wait3A_49 = arith.constant 256 : i32
    %dma_wait3A_50 = arith.constant 0 : i32
    %dma_wait3A_51 = tpu.memref_slice %arg6[%dma_wait3A_49, %dma_wait3A_50] : memref<512x64xf32, #tpu.memory_space<vmem>> -> memref<128x64xf32, #tpu.memory_space<vmem>>
    %dma_wait3A_52 = arith.constant 256 : i32
    %dma_wait3A_53 = tpu.memref_slice %arg5[%dma_wait3A_52] : memref<512xi32, #tpu.memory_space<vmem>> -> memref<128xi32, #tpu.memory_space<vmem>>
    %dma_wait3A_54 = arith.constant 0 : i32
    %dma_wait3A_55 = arith.constant 0 : i32
    %dma_wait3A_56 = tpu.memref_slice %arg3[%dma_wait3A_54, %dma_wait3A_55] : memref<1000001x64xf32, #tpu.memory_space<hbm>> -> memref<1000001x64xf32, #tpu.memory_space<hbm>>
    tpu.wait_indirect_dma semaphore(%arg7 : memref<!tpu.dma_semaphore, #tpu.memory_space<semaphore_mem>>) src(%dma_wait3A_56 : memref<1000001x64xf32, #tpu.memory_space<hbm>>) dst(%dma_wait3A_51 : memref<128x64xf32, #tpu.memory_space<vmem>>)
    %dma_wait3A_57 = arith.constant 384 : i32
    %dma_wait3A_58 = arith.constant 0 : i32
    %dma_wait3A_59 = tpu.memref_slice %arg6[%dma_wait3A_57, %dma_wait3A_58] : memref<512x64xf32, #tpu.memory_space<vmem>> -> memref<128x64xf32, #tpu.memory_space<vmem>>
    %dma_wait3A_60 = arith.constant 384 : i32
    %dma_wait3A_61 = tpu.memref_slice %arg5[%dma_wait3A_60] : memref<512xi32, #tpu.memory_space<vmem>> -> memref<128xi32, #tpu.memory_space<vmem>>
    %dma_wait3A_62 = arith.constant 0 : i32
    %dma_wait3A_63 = arith.constant 0 : i32
    %dma_wait3A_64 = tpu.memref_slice %arg3[%dma_wait3A_62, %dma_wait3A_63] : memref<1000001x64xf32, #tpu.memory_space<hbm>> -> memref<1000001x64xf32, #tpu.memory_space<hbm>>
    tpu.wait_indirect_dma semaphore(%arg7 : memref<!tpu.dma_semaphore, #tpu.memory_space<semaphore_mem>>) src(%dma_wait3A_64 : memref<1000001x64xf32, #tpu.memory_space<hbm>>) dst(%dma_wait3A_59 : memref<128x64xf32, #tpu.memory_space<vmem>>)
    "tpu.region"() ({
      %run_scoped3A = tpu.sem_alloc : memref<!tpu.dma_semaphore, #tpu.memory_space<semaphore_mem>>
      %dma_start3A_65 = arith.constant 0 : i32
      %dma_start3A_66 = tpu.memref_slice %arg4[%mul3A_2, %dma_start3A_65] : memref<16384x64xf32, #tpu.memory_space<hbm>> -> memref<512x64xf32, #tpu.memory_space<hbm>>
      %dma_start3A_67 = arith.constant 0 : i32
      %dma_start3A_68 = tpu.memref_slice %arg4[%mul3A_2, %dma_start3A_67] : memref<16384x64xf32, #tpu.memory_space<hbm>> -> memref<512x64xf32, #tpu.memory_space<hbm>>
      tpu.enqueue_dma source(%arg6 : memref<512x64xf32, #tpu.memory_space<vmem>>) target(%dma_start3A_68 : memref<512x64xf32, #tpu.memory_space<hbm>>) target_semaphore(%run_scoped3A : memref<!tpu.dma_semaphore, #tpu.memory_space<semaphore_mem>>)
      %dma_wait3A_69 = arith.constant 0 : i32
      %dma_wait3A_70 = tpu.memref_slice %arg4[%mul3A_2, %dma_wait3A_69] : memref<16384x64xf32, #tpu.memory_space<hbm>> -> memref<512x64xf32, #tpu.memory_space<hbm>>
      %dma_wait3A_71 = arith.constant 0 : i32
      %dma_wait3A_72 = tpu.memref_slice %arg4[%mul3A_2, %dma_wait3A_71] : memref<16384x64xf32, #tpu.memory_space<hbm>> -> memref<512x64xf32, #tpu.memory_space<hbm>>
      tpu.wait_dma2 semaphore(%run_scoped3A : memref<!tpu.dma_semaphore, #tpu.memory_space<semaphore_mem>>) src(%arg6 : memref<512x64xf32, #tpu.memory_space<vmem>>) dst(%dma_wait3A_72 : memref<512x64xf32, #tpu.memory_space<hbm>>)
      tpu.yield
    }) : () -> ()
    return
  }
}

module attributes {stable_mosaic.version = 14 : i64} {
  func.func @_tc_body(%arg0: i32, %arg1: memref<1024x128xf32, #tpu.memory_space<vmem>>, %arg2: memref<1024x128xf32, #tpu.memory_space<vmem>>, %arg3: memref<1x64xf32, #tpu.memory_space<vmem>>, %arg4: memref<64x64xf32, #tpu.memory_space<vmem>>, %arg5: memref<1024x2xf32, #tpu.memory_space<vmem>>, %arg6: memref<1024x6xi32, #tpu.memory_space<vmem>>, %arg7: memref<1x1xf32, #tpu.memory_space<vmem>>, %arg8: memref<2xf32, #tpu.memory_space<smem>>) attributes {dimension_semantics = [#tpu.dimension_semantics<arbitrary>], iteration_bounds = array<i64: 8>, scalar_prefetch = 0 : i64, scratch_operands = 1 : i64, tpu.core_type = #tpu.core_type<tc>, window_params = [{transform_indices = @transform_0, window_bounds = array<i64: 1024, 128>}, {transform_indices = @transform_1, window_bounds = array<i64: 1024, 128>}, {pipeline_mode = #tpu.pipeline_mode<synchronous>, transform_indices = @transform_2, window_bounds = array<i64: 1, 64>}, {pipeline_mode = #tpu.pipeline_mode<synchronous>, transform_indices = @transform_3, window_bounds = array<i64: 64, 64>}, {transform_indices = @transform_4, window_bounds = array<i64: 1024, 2>}, {transform_indices = @transform_5, window_bounds = array<i64: 1024, 6>}, {pipeline_mode = #tpu.pipeline_mode<synchronous>, transform_indices = @transform_6, window_bounds = array<i64: 1, 1>}]} {
    %eq3A = arith.constant 0 : i32
    %eq3A_0 = arith.cmpi eq, %arg0, %eq3A : i32
    %convert_element_type3A = arith.extui %eq3A_0 : i1 to i32
    %cond3A = arith.constant 0 : i32
    %cond3A_1 = arith.cmpi ne, %convert_element_type3A, %cond3A : i32
    scf.if %cond3A_1 {
      %swap3A_153 = arith.constant 0.000000e+00 : f32
      %swap3A_154 = arith.constant 0 : index
      %swap3A_155 = memref.load %arg8[%swap3A_154] : memref<2xf32, #tpu.memory_space<smem>>
      memref.store %swap3A_153, %arg8[%swap3A_154] : memref<2xf32, #tpu.memory_space<smem>>
      %swap3A_156 = arith.constant 0.000000e+00 : f32
      %swap3A_157 = arith.constant 1 : index
      %swap3A_158 = memref.load %arg8[%swap3A_157] : memref<2xf32, #tpu.memory_space<smem>>
      memref.store %swap3A_156, %arg8[%swap3A_157] : memref<2xf32, #tpu.memory_space<smem>>
    } else {
    }
    %get3A = arith.constant 0 : index
    %get3A_2 = arith.constant 0 : index
    %get3A_3 = vector.load %arg3[%get3A, %get3A_2] : memref<1x64xf32, #tpu.memory_space<vmem>>, vector<1x64xf32>
    %get3A_4 = vector.shape_cast %get3A_3 : vector<1x64xf32> to vector<64xf32>
    %broadcast_in_dim3A = vector.shape_cast %get3A_4 : vector<64xf32> to vector<1x64xf32>
    %get3A_5 = arith.constant 0 : index
    %get3A_6 = arith.constant 0 : index
    %get3A_7 = vector.load %arg4[%get3A_5, %get3A_6] : memref<64x64xf32, #tpu.memory_space<vmem>>, vector<64x64xf32>
    %get3A_8 = arith.constant 0 : index
    %get3A_9 = arith.constant 0 : index
    %get3A_10 = vector.load %arg1[%get3A_8, %get3A_9] : memref<1024x128xf32, #tpu.memory_space<vmem>>, vector<1024x64xf32>
    %add3A = vector.broadcast %broadcast_in_dim3A : vector<1x64xf32> to vector<1024x64xf32>
    %add3A_11 = arith.addf %get3A_10, %add3A : vector<1024x64xf32>
    %get3A_12 = arith.constant 0 : index
    %get3A_13 = arith.constant 0 : index
    %get3A_14 = vector.load %arg2[%get3A_12, %get3A_13] : memref<1024x128xf32, #tpu.memory_space<vmem>>, vector<1024x64xf32>
    %get3A_15 = arith.constant 0 : index
    %get3A_16 = arith.constant 0 : index
    %get3A_17 = vector.load %arg5[%get3A_15, %get3A_16] : memref<1024x2xf32, #tpu.memory_space<vmem>>, vector<1024x1xf32>
    %get3A_18 = vector.shape_cast %get3A_17 : vector<1024x1xf32> to vector<1024xf32>
    %mul3A = arith.mulf %add3A_11, %get3A_14 : vector<1024x64xf32>
    %reduce_sum3A = arith.constant dense<0.000000e+00> : vector<1024xf32>
    %reduce_sum3A_19 = vector.multi_reduction <add>, %mul3A, %reduce_sum3A [1] : vector<1024x64xf32> to vector<1024xf32>
    %add3A_20 = arith.addf %reduce_sum3A_19, %get3A_18 : vector<1024xf32>
    %dot_general3A = arith.constant dense<0.000000e+00> : vector<1024x64xf32>
    %dot_general3A_21 = tpu.matmul %add3A_11, %get3A_7, %dot_general3A {dimension_numbers = #tpu.dot_dimension_numbers<[1], [1], [0], [0], [0, 0, 1, 0], [], []>, transpose_lhs_hint = false} : vector<1024x64xf32>, vector<64x64xf32>, vector<1024x64xf32> -> vector<1024x64xf32>
    %broadcast_in_dim3A_22 = vector.shape_cast %get3A_18 : vector<1024xf32> to vector<1024x1xf32>
    %add3A_23 = vector.broadcast %broadcast_in_dim3A_22 : vector<1024x1xf32> to vector<1024x64xf32>
    %add3A_24 = arith.addf %dot_general3A_21, %add3A_23 : vector<1024x64xf32>
    %neg3A = arith.constant 0.000000e+00 : f32
    %neg3A_25 = vector.broadcast %neg3A : f32 to vector<1024xf32>
    %neg3A_26 = arith.subf %neg3A_25, %add3A_20 : vector<1024xf32>
    %max3A = arith.constant 0.000000e+00 : f32
    %max3A_27 = vector.broadcast %max3A : f32 to vector<1024xf32>
    %max3A_28 = arith.maximumf %neg3A_26, %max3A_27 : vector<1024xf32>
    %abs3A = math.absf %neg3A_26 : vector<1024xf32>
    %neg3A_29 = arith.constant 0.000000e+00 : f32
    %neg3A_30 = vector.broadcast %neg3A_29 : f32 to vector<1024xf32>
    %neg3A_31 = arith.subf %neg3A_30, %abs3A : vector<1024xf32>
    %exp3A = math.exp %neg3A_31 : vector<1024xf32>
    %log1p3A = math.log1p %exp3A : vector<1024xf32>
    %add3A_32 = arith.addf %max3A_28, %log1p3A : vector<1024xf32>
    %max3A_33 = arith.constant 0.000000e+00 : f32
    %max3A_34 = vector.broadcast %max3A_33 : f32 to vector<1024x64xf32>
    %max3A_35 = arith.maximumf %add3A_24, %max3A_34 : vector<1024x64xf32>
    %abs3A_36 = math.absf %add3A_24 : vector<1024x64xf32>
    %neg3A_37 = arith.constant 0.000000e+00 : f32
    %neg3A_38 = vector.broadcast %neg3A_37 : f32 to vector<1024x64xf32>
    %neg3A_39 = arith.subf %neg3A_38, %abs3A_36 : vector<1024x64xf32>
    %exp3A_40 = math.exp %neg3A_39 : vector<1024x64xf32>
    %log1p3A_41 = math.log1p %exp3A_40 : vector<1024x64xf32>
    %add3A_42 = arith.addf %max3A_35, %log1p3A_41 : vector<1024x64xf32>
    %reduce_sum3A_43 = arith.constant dense<0.000000e+00> : vector<1024xf32>
    %reduce_sum3A_44 = vector.multi_reduction <add>, %add3A_42, %reduce_sum3A_43 [1] : vector<1024x64xf32> to vector<1024xf32>
    %add3A_45 = arith.addf %add3A_32, %reduce_sum3A_44 : vector<1024xf32>
    %get3A_46 = arith.constant 0 : index
    %get3A_47 = arith.constant 1 : index
    %get3A_48 = vector.load %arg6[%get3A_46, %get3A_47] : memref<1024x6xi32, #tpu.memory_space<vmem>>, vector<1024x1xi32>
    %get3A_49 = vector.shape_cast %get3A_48 : vector<1024x1xi32> to vector<1024xi32>
    %eq3A_50 = arith.constant 0 : i32
    %eq3A_51 = vector.broadcast %eq3A_50 : i32 to vector<1024xi32>
    %eq3A_52 = arith.cmpi eq, %get3A_49, %eq3A_51 : vector<1024xi32>
    %convert_element_type3A_53 = arith.extui %eq3A_52 : vector<1024xi1> to vector<1024xi32>
    %convert_element_type3A_54 = arith.sitofp %convert_element_type3A_53 : vector<1024xi32> to vector<1024xf32>
    %mul3A_55 = arith.mulf %convert_element_type3A_54, %add3A_45 : vector<1024xf32>
    %reduce_sum3A_56 = vector.shape_cast %mul3A_55 : vector<1024xf32> to vector<1x1024xf32>
    %reduce_sum3A_57 = arith.constant dense<0.000000e+00> : vector<1xf32>
    %reduce_sum3A_58 = vector.multi_reduction <add>, %reduce_sum3A_56, %reduce_sum3A_57 [1] : vector<1x1024xf32> to vector<1xf32>
    %reduce_sum3A_59 = vector.shape_cast %reduce_sum3A_58 : vector<1xf32> to vector<1x1xf32>
    %reduce_sum3A_60 = vector.extract %reduce_sum3A_59[0, 0] : f32 from vector<1x1xf32>
    %add3A_61 = arith.constant 0.000000e+00 : f32
    %add3A_62 = arith.addf %add3A_61, %reduce_sum3A_60 : f32
    %reduce_sum3A_63 = vector.shape_cast %convert_element_type3A_54 : vector<1024xf32> to vector<1x1024xf32>
    %reduce_sum3A_64 = arith.constant dense<0.000000e+00> : vector<1xf32>
    %reduce_sum3A_65 = vector.multi_reduction <add>, %reduce_sum3A_63, %reduce_sum3A_64 [1] : vector<1x1024xf32> to vector<1xf32>
    %reduce_sum3A_66 = vector.shape_cast %reduce_sum3A_65 : vector<1xf32> to vector<1x1xf32>
    %reduce_sum3A_67 = vector.extract %reduce_sum3A_66[0, 0] : f32 from vector<1x1xf32>
    %add3A_68 = arith.constant 0.000000e+00 : f32
    %add3A_69 = arith.addf %add3A_68, %reduce_sum3A_67 : f32
    %get3A_70 = arith.constant 0 : index
    %get3A_71 = arith.constant 64 : index
    %get3A_72 = vector.load %arg1[%get3A_70, %get3A_71] : memref<1024x128xf32, #tpu.memory_space<vmem>>, vector<1024x64xf32>
    %add3A_73 = vector.broadcast %broadcast_in_dim3A : vector<1x64xf32> to vector<1024x64xf32>
    %add3A_74 = arith.addf %get3A_72, %add3A_73 : vector<1024x64xf32>
    %get3A_75 = arith.constant 0 : index
    %get3A_76 = arith.constant 64 : index
    %get3A_77 = vector.load %arg2[%get3A_75, %get3A_76] : memref<1024x128xf32, #tpu.memory_space<vmem>>, vector<1024x64xf32>
    %get3A_78 = arith.constant 0 : index
    %get3A_79 = arith.constant 1 : index
    %get3A_80 = vector.load %arg5[%get3A_78, %get3A_79] : memref<1024x2xf32, #tpu.memory_space<vmem>>, vector<1024x1xf32>
    %get3A_81 = vector.shape_cast %get3A_80 : vector<1024x1xf32> to vector<1024xf32>
    %mul3A_82 = arith.mulf %add3A_74, %get3A_77 : vector<1024x64xf32>
    %reduce_sum3A_83 = arith.constant dense<0.000000e+00> : vector<1024xf32>
    %reduce_sum3A_84 = vector.multi_reduction <add>, %mul3A_82, %reduce_sum3A_83 [1] : vector<1024x64xf32> to vector<1024xf32>
    %add3A_85 = arith.addf %reduce_sum3A_84, %get3A_81 : vector<1024xf32>
    %dot_general3A_86 = arith.constant dense<0.000000e+00> : vector<1024x64xf32>
    %dot_general3A_87 = tpu.matmul %add3A_74, %get3A_7, %dot_general3A_86 {dimension_numbers = #tpu.dot_dimension_numbers<[1], [1], [0], [0], [0, 0, 1, 0], [], []>, transpose_lhs_hint = false} : vector<1024x64xf32>, vector<64x64xf32>, vector<1024x64xf32> -> vector<1024x64xf32>
    %broadcast_in_dim3A_88 = vector.shape_cast %get3A_81 : vector<1024xf32> to vector<1024x1xf32>
    %add3A_89 = vector.broadcast %broadcast_in_dim3A_88 : vector<1024x1xf32> to vector<1024x64xf32>
    %add3A_90 = arith.addf %dot_general3A_87, %add3A_89 : vector<1024x64xf32>
    %neg3A_91 = arith.constant 0.000000e+00 : f32
    %neg3A_92 = vector.broadcast %neg3A_91 : f32 to vector<1024xf32>
    %neg3A_93 = arith.subf %neg3A_92, %add3A_85 : vector<1024xf32>
    %max3A_94 = arith.constant 0.000000e+00 : f32
    %max3A_95 = vector.broadcast %max3A_94 : f32 to vector<1024xf32>
    %max3A_96 = arith.maximumf %neg3A_93, %max3A_95 : vector<1024xf32>
    %abs3A_97 = math.absf %neg3A_93 : vector<1024xf32>
    %neg3A_98 = arith.constant 0.000000e+00 : f32
    %neg3A_99 = vector.broadcast %neg3A_98 : f32 to vector<1024xf32>
    %neg3A_100 = arith.subf %neg3A_99, %abs3A_97 : vector<1024xf32>
    %exp3A_101 = math.exp %neg3A_100 : vector<1024xf32>
    %log1p3A_102 = math.log1p %exp3A_101 : vector<1024xf32>
    %add3A_103 = arith.addf %max3A_96, %log1p3A_102 : vector<1024xf32>
    %max3A_104 = arith.constant 0.000000e+00 : f32
    %max3A_105 = vector.broadcast %max3A_104 : f32 to vector<1024x64xf32>
    %max3A_106 = arith.maximumf %add3A_90, %max3A_105 : vector<1024x64xf32>
    %abs3A_107 = math.absf %add3A_90 : vector<1024x64xf32>
    %neg3A_108 = arith.constant 0.000000e+00 : f32
    %neg3A_109 = vector.broadcast %neg3A_108 : f32 to vector<1024x64xf32>
    %neg3A_110 = arith.subf %neg3A_109, %abs3A_107 : vector<1024x64xf32>
    %exp3A_111 = math.exp %neg3A_110 : vector<1024x64xf32>
    %log1p3A_112 = math.log1p %exp3A_111 : vector<1024x64xf32>
    %add3A_113 = arith.addf %max3A_106, %log1p3A_112 : vector<1024x64xf32>
    %reduce_sum3A_114 = arith.constant dense<0.000000e+00> : vector<1024xf32>
    %reduce_sum3A_115 = vector.multi_reduction <add>, %add3A_113, %reduce_sum3A_114 [1] : vector<1024x64xf32> to vector<1024xf32>
    %add3A_116 = arith.addf %add3A_103, %reduce_sum3A_115 : vector<1024xf32>
    %get3A_117 = arith.constant 0 : index
    %get3A_118 = arith.constant 4 : index
    %get3A_119 = vector.load %arg6[%get3A_117, %get3A_118] : memref<1024x6xi32, #tpu.memory_space<vmem>>, vector<1024x1xi32>
    %get3A_120 = vector.shape_cast %get3A_119 : vector<1024x1xi32> to vector<1024xi32>
    %eq3A_121 = arith.constant 0 : i32
    %eq3A_122 = vector.broadcast %eq3A_121 : i32 to vector<1024xi32>
    %eq3A_123 = arith.cmpi eq, %get3A_120, %eq3A_122 : vector<1024xi32>
    %convert_element_type3A_124 = arith.extui %eq3A_123 : vector<1024xi1> to vector<1024xi32>
    %convert_element_type3A_125 = arith.sitofp %convert_element_type3A_124 : vector<1024xi32> to vector<1024xf32>
    %mul3A_126 = arith.mulf %convert_element_type3A_125, %add3A_116 : vector<1024xf32>
    %reduce_sum3A_127 = vector.shape_cast %mul3A_126 : vector<1024xf32> to vector<1x1024xf32>
    %reduce_sum3A_128 = arith.constant dense<0.000000e+00> : vector<1xf32>
    %reduce_sum3A_129 = vector.multi_reduction <add>, %reduce_sum3A_127, %reduce_sum3A_128 [1] : vector<1x1024xf32> to vector<1xf32>
    %reduce_sum3A_130 = vector.shape_cast %reduce_sum3A_129 : vector<1xf32> to vector<1x1xf32>
    %reduce_sum3A_131 = vector.extract %reduce_sum3A_130[0, 0] : f32 from vector<1x1xf32>
    %add3A_132 = arith.addf %add3A_62, %reduce_sum3A_131 : f32
    %reduce_sum3A_133 = vector.shape_cast %convert_element_type3A_125 : vector<1024xf32> to vector<1x1024xf32>
    %reduce_sum3A_134 = arith.constant dense<0.000000e+00> : vector<1xf32>
    %reduce_sum3A_135 = vector.multi_reduction <add>, %reduce_sum3A_133, %reduce_sum3A_134 [1] : vector<1x1024xf32> to vector<1xf32>
    %reduce_sum3A_136 = vector.shape_cast %reduce_sum3A_135 : vector<1xf32> to vector<1x1xf32>
    %reduce_sum3A_137 = vector.extract %reduce_sum3A_136[0, 0] : f32 from vector<1x1xf32>
    %add3A_138 = arith.addf %add3A_69, %reduce_sum3A_137 : f32
    %get3A_139 = arith.constant 0 : index
    %get3A_140 = memref.load %arg8[%get3A_139] : memref<2xf32, #tpu.memory_space<smem>>
    %add3A_141 = arith.addf %get3A_140, %add3A_132 : f32
    %swap3A = arith.constant 0 : index
    %swap3A_142 = memref.load %arg8[%swap3A] : memref<2xf32, #tpu.memory_space<smem>>
    memref.store %add3A_141, %arg8[%swap3A] : memref<2xf32, #tpu.memory_space<smem>>
    %get3A_143 = arith.constant 1 : index
    %get3A_144 = memref.load %arg8[%get3A_143] : memref<2xf32, #tpu.memory_space<smem>>
    %add3A_145 = arith.addf %get3A_144, %add3A_138 : f32
    %swap3A_146 = arith.constant 1 : index
    %swap3A_147 = memref.load %arg8[%swap3A_146] : memref<2xf32, #tpu.memory_space<smem>>
    memref.store %add3A_145, %arg8[%swap3A_146] : memref<2xf32, #tpu.memory_space<smem>>
    %eq3A_148 = arith.constant 7 : i32
    %eq3A_149 = arith.cmpi eq, %arg0, %eq3A_148 : i32
    %convert_element_type3A_150 = arith.extui %eq3A_149 : i1 to i32
    %cond3A_151 = arith.constant 0 : i32
    %cond3A_152 = arith.cmpi ne, %convert_element_type3A_150, %cond3A_151 : i32
    scf.if %cond3A_152 {
      %get3A_153 = arith.constant 0 : index
      %get3A_154 = memref.load %arg8[%get3A_153] : memref<2xf32, #tpu.memory_space<smem>>
      %get3A_155 = arith.constant 1 : index
      %get3A_156 = memref.load %arg8[%get3A_155] : memref<2xf32, #tpu.memory_space<smem>>
      %max3A_157 = arith.constant 1.000000e+00 : f32
      %max3A_158 = arith.maximumf %get3A_156, %max3A_157 : f32
      %div3A = arith.divf %get3A_154, %max3A_158 : f32
      %div3A_159 = arith.constant 1.638400e+04 : f32
      %div3A_160 = arith.divf %div3A, %div3A_159 : f32
      %broadcast_in_dim3A_161 = vector.broadcast %div3A_160 : f32 to vector<1x1xf32>
      %swap3A_162 = arith.constant 0 : index
      %swap3A_163 = arith.constant 0 : index
      %swap3A_164 = vector.load %arg7[%swap3A_162, %swap3A_163] : memref<1x1xf32, #tpu.memory_space<vmem>>, vector<1x1xf32>
      tpu.vector_store %arg7[%swap3A_162, %swap3A_163], %broadcast_in_dim3A_161 {strides = array<i32>} : memref<1x1xf32, #tpu.memory_space<vmem>>, vector<1x1xf32>,
    } else {
    }
    return
  }
  func.func @transform_0(%arg0: i32) -> (i32, i32) {
    %c0_i32 = arith.constant 0 : i32
    %c0_i32_0 = arith.constant 0 : i32
    return %arg0, %c0_i32 : i32, i32
  }
  func.func @transform_1(%arg0: i32) -> (i32, i32) {
    %c0_i32 = arith.constant 0 : i32
    %c0_i32_0 = arith.constant 0 : i32
    return %arg0, %c0_i32 : i32, i32
  }
  func.func @transform_2(%arg0: i32) -> (i32, i32) {
    %c0_i32 = arith.constant 0 : i32
    %c0_i32_0 = arith.constant 0 : i32
    %c0_i32_1 = arith.constant 0 : i32
    return %c0_i32, %c0_i32_0 : i32, i32
  }
  func.func @transform_3(%arg0: i32) -> (i32, i32) {
    %c0_i32 = arith.constant 0 : i32
    %c0_i32_0 = arith.constant 0 : i32
    %c0_i32_1 = arith.constant 0 : i32
    return %c0_i32, %c0_i32_0 : i32, i32
  }
  func.func @transform_4(%arg0: i32) -> (i32, i32) {
    %c0_i32 = arith.constant 0 : i32
    %c0_i32_0 = arith.constant 0 : i32
    return %arg0, %c0_i32 : i32, i32
  }
  func.func @transform_5(%arg0: i32) -> (i32, i32) {
    %c0_i32 = arith.constant 0 : i32
    %c0_i32_0 = arith.constant 0 : i32
    return %arg0, %c0_i32 : i32, i32
  }
  func.func @transform_6(%arg0: i32) -> (i32, i32) {
    %c0_i32 = arith.constant 0 : i32
    %c0_i32_0 = arith.constant 0 : i32
    %c0_i32_1 = arith.constant 0 : i32
    return %c0_i32, %c0_i32_0 : i32, i32
  }
}

</mosaic_0001>

<sc_bundles>
// kernel: kernel.5.cloned.1.call-start
scs
__scs_entry_jumppad:
0x0: {  	(pc) =	sbr.rel $0x88, $3  }
0x1: {  	(tag) =	ssettag $0x0;
	lr =	simm.s32 $0x1  }
0x2: {  	[smem:$0x3F9B] =	sst lr;
	_ =	strace $0xD0000000  }
0x3: {  	_ = 	snop  }
0x4: {  	_ = 	snop  }
0x5: {  	_ = 	snop  }
0x6: {  	_ = 	snop  }
0x7: {  	_ = 	snop  }
__scs_overlays_trampoline_lowered:
0x8: {  	[smem:$0x3FAA] =	sst s0  }
0x9: {  	[smem:$0x3FAB] =	sst s1  }
0xa: {  	[smem:$0x3FAC] =	sst s2  }
0xb: {  	[smem:$0x3FAD] =	sst s3  }
0xc: {  	[smem:$0x3FAE] =	sst s4  }
0xd: {  	[smem:$0x3FAF] =	sst s5  }
0xe: {  	[smem:$0x3FB0] =	sst s6  }
0xf: {  	[smem:$0x3FB1] =	sst s7  }
0x10: {  	[smem:$0x3FB2] =	sst s8  }
0x11: {  	[smem:$0x3FB3] =	sst s9;
	s0 =	simm.s32 @!p0 $0x0  }
0x12: {  	s1 =	sld [smem:$0x3F99];
	s0 =	simm.s32 @p0 $0x1  }
0x13: {  	[smem:$0x3FB4] =	sst s0;
	s0 =	simm.s32 @!p1 $0x0  }
0x14: {  	s2 =	sld [smem:$0x3F98];
	s0 =	simm.s32 @p1 $0x1  }
0x15: {  	[smem:$0x3FB5] =	sst s0;
	s0 =	simm.s32 @!p2 $0x0  }
0x16: {  	s3 =	sld [smem:$0x3FDB];
	s0 =	simm.s32 @p2 $0x1  }
0x17: {  	s4 =	simm.s32 $0x1BF5;
	[smem:$0x3FB7] =	sst s0  }
0x18: {  	s0 =	sld [smem:$0x3F9A];
	_ =	swait.ge [sflag:s4], $0x0  }
0x19: {  	s7 =	sld [smem:$0x3F9B]  }
0x1a: {  	s8 =	sadd.s32 $0xFFFFE003, lr  }
0x1b: {  	s9 =	sadd.s32 $0xFFFFFEF7, lr;
	s5 =	simm.s32 $0xFFFFFFFF;
	p2 =	slt.u32 s8, $0xFFFFF086  }
0x1c: {  	p1 =	slt.u32 s9, $0xF7A;
	s5 =	simm.s32 @!p2 $0x0  }
0x1d: {  	s5 =	simm.s32 @p1 $0x1;
	p0 =	seq.s32 s7, s2  }
0x1e: {  	s7 =	smul.u32 @!p0 $0xF7A, s2;
	p2 =	seq.s32 @!p0 s5, $0x0  }
0x1f: {  	s9 =	smul.u32 $0xF7A, s1;
	s8 =	simm.s32 @!p0 $0x1BF5;
	p2 =	por !p2, p0  }
0x20: {  	[sflag:s8] =	ssyncset.s32 @!p0 $0xFFFFF086;
	s6 =	sadd.s32 @!p0 s3, s7;
	s7 =	simm.s32 @!p0 $0x108  }
0x21: {  	s3 =	sadd.s32 s3, s9;
	s6 =	sadd.s32 @!p0 $0x88, s6;
	s7 =	simm.s32 @p2 $0x1082  }
0x22: {  	[simem:s7], [sflag:s8] =	dma.local @!p0 [hbm:s6], $0xF7A  }
0x23: {  	s9 =	sor.u32 $0xD0000000, s2;
	s6 =	simm.s32 $0x108;
	_ =	swait.ge @!p0 [sflag:s8], $0x0  }
0x24: {  	s3 =	sadd.s32 $0x88, s3;
	s6 =	simm.s32 @!p1 $0x1082;
	[sflag:s4] =	ssyncset.s32 $0xFFFFF086  }
0x25: {  	[simem:s6], [sflag:s4] =	dma.local [hbm:s3], $0xF7A  }
0x26: {  	[smem:$0x3F9B] =	sst s1;
	(tag) =	ssettag s2;
	_ =	strace s9  }
0x27: {  	s1 =	sld [smem:$0x3FAB]  }
0x28: {  	s2 =	sld [smem:$0x3FAC]  }
0x29: {  	s4 =	sld [smem:$0x3FAE]  }
0x2a: {  	p0 =	seq.s32 s5, $0x0;
	s5 =	sld [smem:$0x3FAF]  }
0x2b: {  	s6 =	sld [smem:$0x3FB0]  }
0x2c: {  	s7 =	sld [smem:$0x3FB1]  }
0x2d: {  	s3 =	simm.s32 $0x108;
	s8 =	sld [smem:$0x3FB2]  }
0x2e: {  	s3 =	simm.s32 @!p0 $0x1082;
	s9 =	sld [smem:$0x3FB3]  }
0x2f: {  	lr =	sadd.s32 s0, s3;
	s0 =	sld [smem:$0x3FAA]  }
0x30: {  	s3 =	sld [smem:$0x3FAD]  }
0x31: {  	[smem:$0x3FB6] =	sst s10  }
0x32: {  	s10 =	sld [smem:$0x3FB4];
	_ =	sdelay $0x3  }
0x33: {  	p0 =	seq.s32 s10, $0x1;
	s10 =	sld [smem:$0x3FB6];
	_ =	sdelay $0x3  }
0x34: {  	[smem:$0x3FB6] =	sst s10  }
0x35: {  	s10 =	sld [smem:$0x3FB5];
	_ =	sdelay $0x3  }
0x36: {  	p1 =	seq.s32 s10, $0x1;
	s10 =	sld [smem:$0x3FB6];
	_ =	sdelay $0x3  }
0x37: {  	[smem:$0x3FB6] =	sst s10  }
0x38: {  	s10 =	sld [smem:$0x3FB7]  }
0x39: {  	_ = 	snop;
	(pc) =	sbr.ind lr, $3  }
0x3a: {  	_ = 	snop  }
0x3b: {  	_ = 	snop  }
0x3c: {  	p2 =	seq.s32 s10, $0x1;
	s10 =	sld [smem:$0x3FB6]  }
0x3d: {  	_ =	shalt  }
0x3e: {  	_ =	shalt  }
0x3f: {  	_ =	shalt  }
0x40: {  	_ =	shalt  }
0x41: {  	_ =	shalt  }
0x42: {  	_ =	shalt  }
0x43: {  	_ =	shalt  }
0x44: {  	_ =	shalt  }
0x45: {  	_ =	shalt  }
0x46: {  	_ =	shalt  }
0x47: {  	_ =	shalt  }
0x48: {  	_ =	shalt  }
0x49: {  	_ =	shalt  }
0x4a: {  	_ =	shalt  }
0x4b: {  	_ =	shalt  }
0x4c: {  	_ =	shalt  }
0x4d: {  	_ =	shalt  }
0x4e: {  	_ =	shalt  }
0x4f: {  	_ =	shalt  }
0x50: {  	_ =	shalt  }
0x51: {  	_ =	shalt  }
0x52: {  	_ =	shalt  }
0x53: {  	_ =	shalt  }
0x54: {  	_ =	shalt  }
0x55: {  	_ =	shalt  }
0x56: {  	_ =	shalt  }
0x57: {  	_ =	shalt  }
0x58: {  	_ =	shalt  }
0x59: {  	_ =	shalt  }
0x5a: {  	_ =	shalt  }
0x5b: {  	_ =	shalt  }
0x5c: {  	_ =	shalt  }
0x5d: {  	_ =	shalt  }
0x5e: {  	_ =	shalt  }
0x5f: {  	_ =	shalt  }
0x60: {  	_ =	shalt  }
0x61: {  	_ =	shalt  }
0x62: {  	_ =	shalt  }
0x63: {  	_ =	shalt  }
0x64: {  	_ =	shalt  }
0x65: {  	_ =	shalt  }
0x66: {  	_ =	shalt  }
0x67: {  	_ =	shalt  }
0x68: {  	_ =	shalt  }
0x69: {  	_ =	shalt  }
0x6a: {  	_ =	shalt  }
0x6b: {  	_ =	shalt  }
0x6c: {  	_ =	shalt  }
0x6d: {  	_ =	shalt  }
0x6e: {  	_ =	shalt  }
0x6f: {  	_ =	shalt  }
0x70: {  	_ =	shalt  }
0x71: {  	_ =	shalt  }
0x72: {  	_ =	shalt  }
0x73: {  	_ =	shalt  }
0x74: {  	_ =	shalt  }
0x75: {  	_ =	shalt  }
0x76: {  	_ =	shalt  }
0x77: {  	_ =	shalt  }
0x78: {  	_ =	shalt  }
0x79: {  	_ =	shalt  }
0x7a: {  	_ =	shalt  }
0x7b: {  	_ =	shalt  }
0x7c: {  	_ =	shalt  }
0x7d: {  	_ =	shalt  }
0x7e: {  	_ =	shalt  }
0x7f: {  	_ =	shalt  }
0x80: {  	_ =	shalt  }
0x81: {  	_ =	shalt  }
0x82: {  	_ =	shalt  }
0x83: {  	_ =	shalt  }
0x84: {  	_ =	shalt  }
0x85: {  	_ =	shalt  }
0x86: {  	_ =	shalt  }
0x87: {  	_ =	shalt  }
.Lfunc_end0:
.L_simem_size_0:
called_computation_lowered:
.L_overlay_start_0:
0x88: {  	s2 =	sld [smem:$0x3FD9]  }
0x89: {  	s3 =	sld [smem:$0x3FFE];
	_ =	sdelay $0x1  }
0x8a: {  	s1 =	srdreg.scid  }
0x8b: {  	s0 =	sand.u32 $0x1, s1  }
0x8c: {  	s17 =	sshll.u32 s0, $0xA;
	s2 =	sadd.s32 s3, s2  }
0x8d: {  	s2 =	sadd.s32 s2, s17  }
0x8e: {  	[smem:$0x3FC2] =	sst s2  }
0x8f: {  	_ = 	snop  }
0x90: {  	(tm) =	ssettm $0x1  }
0x91: {  	s18 =	sld [smem:$0x3FFB];
	_ =	sdelay $0x3  }
0x92: {  	_ =	strace s18  }
0x93: {  	s2 =	sld [smem:$0x3FFC];
	_ =	sdelay $0x3  }
0x94: {  	_ =	strace s2  }
0x95: {  	s2 =	sld [smem:$0x3FFD];
	_ =	sdelay $0x3  }
0x96: {  	_ =	strace s2  }
0x97: {  	_ =	strace $0x8FFFFFFF  }
0x98: {  	s19 =	sld [smem:$0x3FDB];
	_ =	sdelay $0x1  }
0x99: {  	s20 =	simm.s32 $_scs_section_size  }
0x9a: {  	s4 =	simm.s32 $_size__tile_overlayer_lowered;
	s5 =	simm.s32 $_tile_overlayer_lowered  }
0x9b: {  	s6 =	simm.s32 $0x1BFF;
	s21 =	sshll.u32 s5, $0x1;
	s3 =	sadd.s32 s20, s19  }
0x9c: {  	s22 =	simm.s32 $0x0;
	s4 =	sshll.u32 s4, $0x1;
	s5 =	sadd.s32 s21, s3  }
0x9d: {  	[timem:s22], [sflag:s6] =	dma.local [hbm:s5], s4  }
0x9e: {  	_ =	swait.ge [sflag:s6], s4  }
0x9f: {  	s4 =	ssub.s32 $0x0, s4;
	[sflag:s6] =	ssyncset.done $0x0  }
0xa0: {  	[sflag:s6] =	ssyncadd.s32 s4;
	_ =	sdelay $0x1  }
0xa1: {  	s23 =	simm.s32 $0x1B8B  }
0xa2: {  	_ =	swait.ge [sflag:s23], $0x1  }
0xa3: {  	[sflag:s23] =	ssyncset.done $0x0  }
0xa4: {  	[sflag:s23] =	ssyncadd.s32 $0xFFFFFFFF  }
0xa5: {  	s4 =	sld [smem:$0x0]  }
0xa6: {  	s5 =	sand.u32 $0xFFFFFFFE, s1  }
0xa7: {  	p0 =	sne.s32 s1, s5  }
0xa8: {  	s5 =	sshll.u32 @p0 s5, $0xE  }
0xa9: {  	s5 =	sadd.s32 @p0 $0x11B8D, s5;
	s6 =	sshll.u32 @p0 s4, $0x11  }
0xaa: {  	s5 =	sor.u32 @p0 s6, s5  }
0xab: {  	[sflag:s5] =	ssyncadd.remote.s32 @p0 $0x1;
	_ =	sdelay $0x1  }
0xac: {  	s5 =	simm.s32 @p0 $0x1B8D  }
0xad: {  	_ =	swait.eq @p0 [sflag:s5], $0x1  }
0xae: {  	[sflag:s5] =	ssyncadd.s32 @p0 $0xFFFFFFFF  }
0xaf: {  	s6 =	sshll.u32 @!p0 s1, $0xE  }
0xb0: {  	s6 =	sor.u32 @!p0 $0x4000, s6;
	s5 =	simm.s32 @!p0 $0x1B8D  }
0xb1: {  	s4 =	sshll.u32 @!p0 s4, $0x11;
	s6 =	sadd.s32 @!p0 $0x11B8D, s6;
	_ =	swait.eq @!p0 [sflag:s5], $0x1  }
0xb2: {  	s4 =	sor.u32 @!p0 s4, s6;
	[sflag:s5] =	ssyncadd.s32 @!p0 $0xFFFFFFFF  }
0xb3: {  	s25 =	simm.s32 $0x1B8E;
	s24 =	sld [smem:$0x3FFE];
	[sflag:s4] =	ssyncadd.remote.s32 @!p0 $0x1  }
0xb4: {  	s26 =	simm.s32 $execute0_lowered;
	[smem:$0x3FD2] =	sst s25  }
0xb5: {  	s5 =	sshll.u32 s26, $0x1;
	_ =	strace $0x80000049;
	[dreg:$0x1] =	wrdreg $0xFFFFFFFF  }
0xb6: {  	s28 =	simm.s32 $_size_execute0_lowered;
	s3 =	sadd.s32 s3, s5;
	[dreg:$0x0] =	wrdreg $0x0  }
0xb7: {  	s5 =	sshll.u32 s28, $0x1;
	[dreg:$0x2] =	wrdreg s3  }
0xb8: {  	[dreg:$0x3] =	wrdreg s5  }
0xb9: {  	[dreg:$0x4] =	wrdreg $0xC0  }
0xba: {  	_ =	task [dreg:s22], $0x5FFFF  }
0xbb: {  	[dreg:$0x1] =	wrdreg $0xFFFFFFFF  }
0xbc: {  	[dreg:$0x0] =	wrdreg $0x60  }
0xbd: {  	[dreg:$0x2] =	wrdreg s24  }
0xbe: {  	[dreg:$0x3] =	wrdreg $0x9  }
0xbf: {  	_ =	task.clear_ibuf [dreg:s22], $0x4FFFF;
	_ =	strace $0x90000049  }
0xc0: {  	s29 =	simm.s32 $0x9;
	_ =	strace $0x8000004B  }
0xc1: {  	_ =	swait.ge [sflag:s29], $0x1  }
0xc2: {  	[sflag:s29] =	ssyncadd.s32 $0xFFFFFFFF  }
0xc3: {  	_ =	strace $0x9000004B  }
0xc4: {  	_ =	sfence  }
0xc5: {  	s30 =	sld [smem:$0x0];
	_ =	sdelay $0x2  }
0xc6: {  	s31 =	sshll.u32 s1, $0xD;
	s1 =	sshrl.u32 s1, $0x2  }
0xc7: {  	s4 =	sand.u32 $0x4000, s31;
	s1 =	sadd.s32 s1, s30  }
0xc8: {  	s0 =	sor.u32 s4, s0;
	s1 =	sshll.u32 s1, $0x11  }
0xc9: {  	s0 =	sor.u32 s1, s0  }
0xca: {  	s0 =	sadd.s32 $0x8F2B, s0  }
0xcb: {  	[sflag:s0] =	ssyncadd.remote.s32 $0x1  }
0xcc: {  	_ =	sfence.sel $0xFFFF  }
0xcd: {  	[dreg:$0x0] =	wrdreg $0xFFFFFFFF;
	(pc) =	sbr.abs _section_cstart, $3  }
0xce: {  	[dreg:$0x1] =	wrdreg $0xFFFFFFFF  }
0xcf: {  	_ =	task.clear_ibuf [dreg:s22], $0x2FFFF;
	_ =	strace $0x9FFFFFFF  }
0xd0: {  	(tm) =	ssettm $0x7FFFFFFF  }
0xd1: {  	_ =	shalt  }
tec
execute0_lowered:
.L_overlay_start_1:
0x0: {  	(tag) =	ssettag $0x1  }
0x1: {  	s1 =	srdreg.scid  }
0x2: {  	s0 =	stileid.u32;
	s14 =	sand.u32 $0x1, s1  }
0x3: {  	s29 =	sshll.u32 s0, $0xA;
	s2 =	sshll.u32 s14, $0x9  }
0x4: {  	s15 =	rddreg [dreg:$0x0];
	s16 =	sor.u32 s2, s29  }
0x5: {  	s1 =	rddreg [dreg:$0x1];
	s2 =	simm.s32 $0x0;
	s3 =	sshrl.u32 s16, $0x3  }
0x6: {  	[smem:$0x7FF] =	sst s2;
	s3 =	sadd.s32 s3, s15  }
0x7: {  	_ =	strace $0x8000004A;
	s4 =	sadd.s32 $0x1C00, s3;
	s3 =	simm.s32 $0x2  }
0x8: {  	[tilespmem:s2], [sflag:$0x2] =	stream.linear.gather [hbm4b:s4+s2], $0x200, $0x38;
	[tilespmem:$0x8200] =	vst v63  }
0x9: {  	_ =	swait.ge [sflag:s3], $0x200  }
0xa: {  	s6 =	simm.s32 $0x80;
	[sflag:s3] =	ssyncset.done $0x0  }
0xb: {  	s7 =	simm.s32 $0x200;
	s5 =	sadd.s32 $0x118EC00, s15;
	[sflag:s3] =	ssyncadd.s32 $0xFFFFFE00  }
0xc: {  	[tilespmem:s7], [sflag:$0x1] =	stream.indirect.gather [hbm4b:s5+s6], $0x40, s2, s6, $0xb8;
	[tilespmem:$0x8200] =	vst v63  }
0xd: {  	s8 =	simm.s32 $0x2200  }
0xe: {  	[tilespmem:s8], [sflag:$0x1] =	stream.indirect.gather [hbm4b:s5+s6], $0x40, s6, s6, $0xb8;
	[tilespmem:$0x8200] =	vst v63  }
0xf: {  	s9 =	simm.s32 $0x100;
	s10 =	simm.s32 $0x4200  }
0x10: {  	[tilespmem:s10], [sflag:$0x1] =	stream.indirect.gather [hbm4b:s5+s6], $0x40, s9, s6, $0xb8;
	[tilespmem:$0x8200] =	vst v63  }
0x11: {  	s11 =	simm.s32 $0x180;
	s12 =	simm.s32 $0x6200;
	s13 =	simm.s32 $0x1  }
0x12: {  	[tilespmem:s12], [sflag:$0x1] =	stream.indirect.gather [hbm4b:s5+s6], $0x40, s11, s6, $0xb8;
	[tilespmem:$0x8200] =	vst v63  }
0x13: {  	_ =	swait.ge [sflag:s13], $0x2000  }
0x14: {  	[sflag:s13] =	ssyncset.done $0x0  }
0x15: {  	[sflag:s13] =	ssyncadd.s32 $0xFFFFE000  }
0x16: {  	_ =	swait.ge [sflag:s13], $0x2000  }
0x17: {  	[sflag:s13] =	ssyncset.done $0x0  }
0x18: {  	s14 =	ssub.s32 $0x2, s14;
	[sflag:s13] =	ssyncadd.s32 $0xFFFFE000  }
0x19: {  	s17 =	sshrl.u32 s14, $0x1;
	_ =	swait.ge [sflag:s13], $0x2000  }
0x1a: {  	s30 =	ssub.s32 s14, s17;
	[sflag:s13] =	ssyncset.done $0x0  }
0x1b: {  	s31 =	smax.u32 s30, $0x1;
	[sflag:s13] =	ssyncadd.s32 $0xFFFFE000  }
0x1c: {  	s16 =	sshll.u32 s16, $0x3;
	p0 =	sne.s32 s31, $0x1;
	_ =	swait.ge [sflag:s13], $0x2000  }
.Ltmp0:
0x1d: {  	s15 =	sadd.s32 s16, s15;
	[sflag:s13] =	ssyncset.done $0x0;
	(pc) =	sbr.rel @!p0 .LBB2_2-.Ltmp0, $4  }
0x1e: {  	s14 =	sadd.s32 $0x26000, s15;
	[sflag:s13] =	ssyncadd.s32 $0xFFFFE000  }
0x1f: {  	[hbm4b:s14+s2] =	stream.linear.scatter [tilespmem:s7], [sflag:$0x2], $0x8000, $0x38;
	[tilespmem:$0x8200] =	vst v63  }
0x20: {  	_ =	swait.ge [sflag:s3], $0x8000  }
0x21: {  	s15 =	sadd.s32 $0xFFFFFFFF, s31;
	[sflag:s3] =	ssyncset.done $0x0  }
.LBB2_1:
0x22: {  	p0 =	sne.s32 s15, $0x1;
	s15 =	sadd.s32 $0xFFFFFFFF, s15;
	[sflag:s3] =	ssyncadd.s32 $0xFFFF8000  }
0x23: {  	[tilespmem:s2], [sflag:$0x2] =	stream.linear.gather [hbm4b:s4+s2], $0x200, $0x38;
	[tilespmem:$0x8200] =	vst v63  }
0x24: {  	_ =	swait.ge [sflag:s3], $0x200  }
0x25: {  	[sflag:s3] =	ssyncset.done $0x0  }
0x26: {  	[sflag:s3] =	ssyncadd.s32 $0xFFFFFE00  }
0x27: {  	[tilespmem:s7], [sflag:$0x1] =	stream.indirect.gather [hbm4b:s5+s6], $0x40, s2, s6, $0xb8;
	[tilespmem:$0x8200] =	vst v63  }
0x28: {  	_ = 	snop  }
0x29: {  	[tilespmem:s8], [sflag:$0x1] =	stream.indirect.gather [hbm4b:s5+s6], $0x40, s6, s6, $0xb8;
	[tilespmem:$0x8200] =	vst v63  }
0x2a: {  	_ = 	snop  }
0x2b: {  	[tilespmem:s10], [sflag:$0x1] =	stream.indirect.gather [hbm4b:s5+s6], $0x40, s9, s6, $0xb8;
	[tilespmem:$0x8200] =	vst v63  }
0x2c: {  	_ = 	snop  }
0x2d: {  	[tilespmem:s12], [sflag:$0x1] =	stream.indirect.gather [hbm4b:s5+s6], $0x40, s11, s6, $0xb8;
	[tilespmem:$0x8200] =	vst v63  }
0x2e: {  	_ =	swait.ge [sflag:s13], $0x2000  }
0x2f: {  	[sflag:s13] =	ssyncset.done $0x0  }
0x30: {  	[sflag:s13] =	ssyncadd.s32 $0xFFFFE000  }
0x31: {  	_ =	swait.ge [sflag:s13], $0x2000  }
0x32: {  	[sflag:s13] =	ssyncset.done $0x0  }
0x33: {  	[sflag:s13] =	ssyncadd.s32 $0xFFFFE000  }
0x34: {  	_ =	swait.ge [sflag:s13], $0x2000  }
0x35: {  	[sflag:s13] =	ssyncset.done $0x0  }
0x36: {  	[sflag:s13] =	ssyncadd.s32 $0xFFFFE000  }
0x37: {  	_ =	swait.ge [sflag:s13], $0x2000  }
.Ltmp1:
0x38: {  	[sflag:s13] =	ssyncset.done $0x0;
	(pc) =	sbr.rel @p0 .LBB2_1-.Ltmp1, $4  }
0x39: {  	[sflag:s13] =	ssyncadd.s32 $0xFFFFE000  }
0x3a: {  	[hbm4b:s14+s2] =	stream.linear.scatter [tilespmem:s7], [sflag:$0x2], $0x8000, $0x38;
	[tilespmem:$0x8200] =	vst v63  }
0x3b: {  	_ =	swait.ge [sflag:s3], $0x8000  }
0x3c: {  	[sflag:s3] =	ssyncset.done $0x0  }
.LBB2_2:
0x3d: {  	[sflag:s3] =	ssyncadd.s32 $0xFFFF8000  }
0x3e: {  	_ =	sfence.sel $0x180000  }
0x3f: {  	[bflag:$0x0] =	sbarrier.arrive $0xFFFF  }
0x40: {  	p0 =	sne.s32 s0, $0x0;
	_ =	strace $0x9000004A  }
0x41: {  	s0 =	sadd.s32 @!p0 $0x100000, s1;
	[bflag:$0x2] =	sbarrier.arrive $0xFFFF  }
0x42: {  	[sflag:s0] =	ssyncadd.tile.s32 @!p0 $0x1;
	_ =	shalt  }
.Lfunc_end2:
_tile_overlayer_lowered:
.L_overlay_start_2:
0x43: {  	(tag) =	ssettag $0x2  }
0x44: {  	s0 =	rddreg [dreg:$0x0];
	s2 =	stileid.u32  }
0x45: {  	s1 =	rddreg [dreg:$0x1];
	p0 =	sne.s32 s2, $0x0  }
0x46: {  	s3 =	rddreg [dreg:$0x2];
	[bflag:$0x3] =	sbarrier.arrive $0xFFFF;
	s2 =	simm.s32 @!p0 $0x1C02  }
0x47: {  	[timem:s3], [sflag:s2] =	dma.local @!p0 [hbm:s0], s1  }
0x48: {  	s0 =	simm.s32 @!p0 $0x2  }
0x49: {  	_ =	swait.ge @!p0 [sflag:s0], s1  }
0x4a: {  	s1 =	ssub.s32 @!p0 $0x0, s1;
	[sflag:s0] =	ssyncset.done @!p0 $0x0  }
0x4b: {  	[sflag:s0] =	ssyncadd.s32 @!p0 s1  }
0x4c: {  	[bflag:$0x3] =	sbarrier.arrive $0xFFFF  }
0x4d: {  	_ =	shalt  }

// kernel: kernel.8.cloned.1.call-start
scs
__scs_entry_jumppad:
0x0: {  	(pc) =	sbr.rel $0x88, $3  }
0x1: {  	(tag) =	ssettag $0x0;
	lr =	simm.s32 $0x1  }
0x2: {  	[smem:$0x3F9B] =	sst lr;
	_ =	strace $0xD0000000  }
0x3: {  	_ = 	snop  }
0x4: {  	_ = 	snop  }
0x5: {  	_ = 	snop  }
0x6: {  	_ = 	snop  }
0x7: {  	_ = 	snop  }
__scs_overlays_trampoline_lowered:
0x8: {  	[smem:$0x3FAA] =	sst s0  }
0x9: {  	[smem:$0x3FAB] =	sst s1  }
0xa: {  	[smem:$0x3FAC] =	sst s2  }
0xb: {  	[smem:$0x3FAD] =	sst s3  }
0xc: {  	[smem:$0x3FAE] =	sst s4  }
0xd: {  	[smem:$0x3FAF] =	sst s5  }
0xe: {  	[smem:$0x3FB0] =	sst s6  }
0xf: {  	[smem:$0x3FB1] =	sst s7  }
0x10: {  	[smem:$0x3FB2] =	sst s8  }
0x11: {  	[smem:$0x3FB3] =	sst s9;
	s0 =	simm.s32 @!p0 $0x0  }
0x12: {  	s1 =	sld [smem:$0x3F99];
	s0 =	simm.s32 @p0 $0x1  }
0x13: {  	[smem:$0x3FB4] =	sst s0;
	s0 =	simm.s32 @!p1 $0x0  }
0x14: {  	s2 =	sld [smem:$0x3F98];
	s0 =	simm.s32 @p1 $0x1  }
0x15: {  	[smem:$0x3FB5] =	sst s0;
	s0 =	simm.s32 @!p2 $0x0  }
0x16: {  	s3 =	sld [smem:$0x3FDB];
	s0 =	simm.s32 @p2 $0x1  }
0x17: {  	s4 =	simm.s32 $0x1BF5;
	[smem:$0x3FB7] =	sst s0  }
0x18: {  	s0 =	sld [smem:$0x3F9A];
	_ =	swait.ge [sflag:s4], $0x0  }
0x19: {  	s7 =	sld [smem:$0x3F9B]  }
0x1a: {  	s8 =	sadd.s32 $0xFFFFE003, lr  }
0x1b: {  	s9 =	sadd.s32 $0xFFFFFEF7, lr;
	s5 =	simm.s32 $0xFFFFFFFF;
	p2 =	slt.u32 s8, $0xFFFFF086  }
0x1c: {  	p1 =	slt.u32 s9, $0xF7A;
	s5 =	simm.s32 @!p2 $0x0  }
0x1d: {  	s5 =	simm.s32 @p1 $0x1;
	p0 =	seq.s32 s7, s2  }
0x1e: {  	s7 =	smul.u32 @!p0 $0xF7A, s2;
	p2 =	seq.s32 @!p0 s5, $0x0  }
0x1f: {  	s9 =	smul.u32 $0xF7A, s1;
	s8 =	simm.s32 @!p0 $0x1BF5;
	p2 =	por !p2, p0  }
0x20: {  	[sflag:s8] =	ssyncset.s32 @!p0 $0xFFFFF086;
	s6 =	sadd.s32 @!p0 s3, s7;
	s7 =	simm.s32 @!p0 $0x108  }
0x21: {  	s3 =	sadd.s32 s3, s9;
	s6 =	sadd.s32 @!p0 $0x88, s6;
	s7 =	simm.s32 @p2 $0x1082  }
0x22: {  	[simem:s7], [sflag:s8] =	dma.local @!p0 [hbm:s6], $0xF7A  }
0x23: {  	s9 =	sor.u32 $0xD0000000, s2;
	s6 =	simm.s32 $0x108;
	_ =	swait.ge @!p0 [sflag:s8], $0x0  }
0x24: {  	s3 =	sadd.s32 $0x88, s3;
	s6 =	simm.s32 @!p1 $0x1082;
	[sflag:s4] =	ssyncset.s32 $0xFFFFF086  }
0x25: {  	[simem:s6], [sflag:s4] =	dma.local [hbm:s3], $0xF7A  }
0x26: {  	[smem:$0x3F9B] =	sst s1;
	(tag) =	ssettag s2;
	_ =	strace s9  }
0x27: {  	s1 =	sld [smem:$0x3FAB]  }
0x28: {  	s2 =	sld [smem:$0x3FAC]  }
0x29: {  	s4 =	sld [smem:$0x3FAE]  }
0x2a: {  	p0 =	seq.s32 s5, $0x0;
	s5 =	sld [smem:$0x3FAF]  }
0x2b: {  	s6 =	sld [smem:$0x3FB0]  }
0x2c: {  	s7 =	sld [smem:$0x3FB1]  }
0x2d: {  	s3 =	simm.s32 $0x108;
	s8 =	sld [smem:$0x3FB2]  }
0x2e: {  	s3 =	simm.s32 @!p0 $0x1082;
	s9 =	sld [smem:$0x3FB3]  }
0x2f: {  	lr =	sadd.s32 s0, s3;
	s0 =	sld [smem:$0x3FAA]  }
0x30: {  	s3 =	sld [smem:$0x3FAD]  }
0x31: {  	[smem:$0x3FB6] =	sst s10  }
0x32: {  	s10 =	sld [smem:$0x3FB4];
	_ =	sdelay $0x3  }
0x33: {  	p0 =	seq.s32 s10, $0x1;
	s10 =	sld [smem:$0x3FB6];
	_ =	sdelay $0x3  }
0x34: {  	[smem:$0x3FB6] =	sst s10  }
0x35: {  	s10 =	sld [smem:$0x3FB5];
	_ =	sdelay $0x3  }
0x36: {  	p1 =	seq.s32 s10, $0x1;
	s10 =	sld [smem:$0x3FB6];
	_ =	sdelay $0x3  }
0x37: {  	[smem:$0x3FB6] =	sst s10  }
0x38: {  	s10 =	sld [smem:$0x3FB7]  }
0x39: {  	_ = 	snop;
	(pc) =	sbr.ind lr, $3  }
0x3a: {  	_ = 	snop  }
0x3b: {  	_ = 	snop  }
0x3c: {  	p2 =	seq.s32 s10, $0x1;
	s10 =	sld [smem:$0x3FB6]  }
0x3d: {  	_ =	shalt  }
0x3e: {  	_ =	shalt  }
0x3f: {  	_ =	shalt  }
0x40: {  	_ =	shalt  }
0x41: {  	_ =	shalt  }
0x42: {  	_ =	shalt  }
0x43: {  	_ =	shalt  }
0x44: {  	_ =	shalt  }
0x45: {  	_ =	shalt  }
0x46: {  	_ =	shalt  }
0x47: {  	_ =	shalt  }
0x48: {  	_ =	shalt  }
0x49: {  	_ =	shalt  }
0x4a: {  	_ =	shalt  }
0x4b: {  	_ =	shalt  }
0x4c: {  	_ =	shalt  }
0x4d: {  	_ =	shalt  }
0x4e: {  	_ =	shalt  }
0x4f: {  	_ =	shalt  }
0x50: {  	_ =	shalt  }
0x51: {  	_ =	shalt  }
0x52: {  	_ =	shalt  }
0x53: {  	_ =	shalt  }
0x54: {  	_ =	shalt  }
0x55: {  	_ =	shalt  }
0x56: {  	_ =	shalt  }
0x57: {  	_ =	shalt  }
0x58: {  	_ =	shalt  }
0x59: {  	_ =	shalt  }
0x5a: {  	_ =	shalt  }
0x5b: {  	_ =	shalt  }
0x5c: {  	_ =	shalt  }
0x5d: {  	_ =	shalt  }
0x5e: {  	_ =	shalt  }
0x5f: {  	_ =	shalt  }
0x60: {  	_ =	shalt  }
0x61: {  	_ =	shalt  }
0x62: {  	_ =	shalt  }
0x63: {  	_ =	shalt  }
0x64: {  	_ =	shalt  }
0x65: {  	_ =	shalt  }
0x66: {  	_ =	shalt  }
0x67: {  	_ =	shalt  }
0x68: {  	_ =	shalt  }
0x69: {  	_ =	shalt  }
0x6a: {  	_ =	shalt  }
0x6b: {  	_ =	shalt  }
0x6c: {  	_ =	shalt  }
0x6d: {  	_ =	shalt  }
0x6e: {  	_ =	shalt  }
0x6f: {  	_ =	shalt  }
0x70: {  	_ =	shalt  }
0x71: {  	_ =	shalt  }
0x72: {  	_ =	shalt  }
0x73: {  	_ =	shalt  }
0x74: {  	_ =	shalt  }
0x75: {  	_ =	shalt  }
0x76: {  	_ =	shalt  }
0x77: {  	_ =	shalt  }
0x78: {  	_ =	shalt  }
0x79: {  	_ =	shalt  }
0x7a: {  	_ =	shalt  }
0x7b: {  	_ =	shalt  }
0x7c: {  	_ =	shalt  }
0x7d: {  	_ =	shalt  }
0x7e: {  	_ =	shalt  }
0x7f: {  	_ =	shalt  }
0x80: {  	_ =	shalt  }
0x81: {  	_ =	shalt  }
0x82: {  	_ =	shalt  }
0x83: {  	_ =	shalt  }
0x84: {  	_ =	shalt  }
0x85: {  	_ =	shalt  }
0x86: {  	_ =	shalt  }
0x87: {  	_ =	shalt  }
.Lfunc_end0:
.L_simem_size_0:
called_computation.1_lowered:
.L_overlay_start_0:
0x88: {  	s2 =	sld [smem:$0x3FD9]  }
0x89: {  	s3 =	sld [smem:$0x3FFE];
	_ =	sdelay $0x1  }
0x8a: {  	s1 =	srdreg.scid  }
0x8b: {  	s0 =	sand.u32 $0x1, s1  }
0x8c: {  	s17 =	sshll.u32 s0, $0xA;
	s2 =	sadd.s32 s3, s2  }
0x8d: {  	s2 =	sadd.s32 s2, s17  }
0x8e: {  	[smem:$0x3FC2] =	sst s2  }
0x8f: {  	_ = 	snop  }
0x90: {  	s2 =	sld [smem:$0x3FC4];
	(tm) =	ssettm $0x1  }
0x91: {  	s18 =	sld [smem:$0x3FFB];
	_ =	sdelay $0x3  }
0x92: {  	_ =	strace s18  }
0x93: {  	s3 =	sld [smem:$0x3FFC];
	_ =	sdelay $0x3  }
0x94: {  	_ =	strace s3  }
0x95: {  	s3 =	sld [smem:$0x3FFD];
	_ =	sdelay $0x3  }
0x96: {  	_ =	strace s3  }
0x97: {  	_ =	strace $0x8FFFFFFF  }
0x98: {  	s19 =	sld [smem:$0x3FDB];
	_ =	sdelay $0x1  }
0x99: {  	s4 =	simm.s32 $_scs_section_size  }
0x9a: {  	s5 =	simm.s32 $_size__tile_overlayer_lowered;
	s6 =	simm.s32 $_tile_overlayer_lowered  }
0x9b: {  	s22 =	simm.s32 $0x1BFF;
	s21 =	sshll.u32 s6, $0x1;
	s3 =	sadd.s32 s4, s19  }
0x9c: {  	s7 =	simm.s32 $0x0;
	s20 =	sshll.u32 s5, $0x1;
	s5 =	sadd.s32 s21, s3  }
0x9d: {  	[timem:s7], [sflag:s22] =	dma.local [hbm:s5], s20  }
0x9e: {  	_ =	swait.ge [sflag:s22], s20  }
0x9f: {  	s4 =	ssub.s32 $0x0, s20;
	[sflag:s22] =	ssyncset.done $0x0  }
0xa0: {  	[sflag:s22] =	ssyncadd.s32 s4;
	_ =	sdelay $0x1  }
0xa1: {  	s23 =	simm.s32 $0x1B8B  }
0xa2: {  	_ =	swait.ge [sflag:s23], $0x1  }
0xa3: {  	[sflag:s23] =	ssyncset.done $0x0  }
0xa4: {  	s25 =	simm.s32 $0x1B8E;
	s24 =	sld [smem:$0x3FFE];
	[sflag:s23] =	ssyncadd.s32 $0xFFFFFFFF  }
0xa5: {  	s26 =	simm.s32 $execute0_lowered;
	[smem:$0x3FD2] =	sst s25  }
0xa6: {  	s5 =	sshll.u32 s26, $0x1;
	_ =	strace $0x80000046;
	[dreg:$0x1] =	wrdreg $0xFFFFFFFF  }
0xa7: {  	s28 =	simm.s32 $_size_execute0_lowered;
	s3 =	sadd.s32 s3, s5;
	[dreg:$0x0] =	wrdreg $0x0  }
0xa8: {  	s5 =	sshll.u32 s28, $0x1;
	[dreg:$0x2] =	wrdreg s3  }
0xa9: {  	[dreg:$0x3] =	wrdreg s5  }
0xaa: {  	[dreg:$0x4] =	wrdreg $0xC0  }
0xab: {  	_ =	task [dreg:s7], $0x5FFFF  }
0xac: {  	[dreg:$0x1] =	wrdreg $0xFFFFFFFF  }
0xad: {  	[dreg:$0x0] =	wrdreg $0x60  }
0xae: {  	[dreg:$0x2] =	wrdreg s24  }
0xaf: {  	[dreg:$0x3] =	wrdreg s2  }
0xb0: {  	[dreg:$0x4] =	wrdreg $0xA  }
0xb1: {  	_ =	task.clear_ibuf [dreg:s7], $0x5FFFF;
	_ =	strace $0x90000046  }
0xb2: {  	s29 =	simm.s32 $0xA;
	_ =	strace $0x80000048  }
0xb3: {  	_ =	swait.ge [sflag:s29], $0x1  }
0xb4: {  	[sflag:s29] =	ssyncadd.s32 $0xFFFFFFFF  }
0xb5: {  	_ =	strace $0x90000048  }
0xb6: {  	_ =	sfence  }
0xb7: {  	s30 =	sld [smem:$0x0];
	_ =	sdelay $0x2  }
0xb8: {  	s31 =	sshll.u32 s1, $0xD;
	s1 =	sshrl.u32 s1, $0x2  }
0xb9: {  	s3 =	sand.u32 $0x4000, s31;
	s1 =	sadd.s32 s1, s30  }
0xba: {  	s0 =	sor.u32 s3, s0;
	s1 =	sshll.u32 s1, $0x11  }
0xbb: {  	s0 =	sor.u32 s1, s0  }
0xbc: {  	s0 =	sadd.s32 $0x8F2B, s0  }
0xbd: {  	[sflag:s0] =	ssyncadd.remote.s32 $0x1  }
0xbe: {  	_ =	sfence.sel $0xFFFF  }
0xbf: {  	[dreg:$0x0] =	wrdreg $0xFFFFFFFF;
	(pc) =	sbr.abs _section_cstart, $3  }
0xc0: {  	[dreg:$0x1] =	wrdreg $0xFFFFFFFF  }
0xc1: {  	_ =	task.clear_ibuf [dreg:s7], $0x2FFFF;
	_ =	strace $0x9FFFFFFF  }
0xc2: {  	(tm) =	ssettm $0x7FFFFFFF  }
0xc3: {  	_ =	shalt  }
tec
execute0_lowered:
.L_overlay_start_1:
0x0: {  	(tag) =	ssettag $0x1  }
0x1: {  	s1 =	srdreg.scid;
	s0 =	stileid.u32  }
0x2: {  	s29 =	sand.u32 $0x1, s1;
	s26 =	sshll.u32 s0, $0x1  }
0x3: {  	s31 =	rddreg [dreg:$0x0];
	s1 =	sor.u32 s29, s26  }
0x4: {  	s2 =	rddreg [dreg:$0x1];
	s3 =	simm.s32 $0x0;
	s4 =	sshll.u32 s1, $0x6  }
0x5: {  	[smem:$0x7FF] =	sst s3;
	s30 =	sadd.s32 s4, s31  }
0x6: {  	_ =	strace $0x80000047;
	s4 =	simm.s32 $0x4;
	s5 =	sadd.s32 $0x1400, s30  }
0x7: {  	[tilespmem:s3], [sflag:$0x4] =	stream.linear.gather [hbm4b:s5+s3], $0x200, $0x38;
	[tilespmem:$0x9440] =	vst v63  }
0x8: {  	_ =	swait.ge [sflag:s4], $0x200  }
0x9: {  	s7 =	simm.s32 $0x80;
	[sflag:s4] =	ssyncset.done $0x0  }
0xa: {  	s8 =	simm.s32 $0x200;
	s6 =	sadd.s32 $0x189000, s31;
	[sflag:s4] =	ssyncadd.s32 $0xFFFFFE00  }
0xb: {  	[tilespmem:s8], [sflag:$0x1] =	stream.indirect.gather [hbm4b:s6+s7], $0x40, s3, s7, $0xb8;
	[tilespmem:$0x9440] =	vst v63  }
0xc: {  	s10 =	simm.s32 $0x8200;
	s9 =	sadd.s32 $0x2400, s31  }
0xd: {  	[tilespmem:s10], [sflag:$0x2] =	stream.indirect.gather [hbm4b:s9+s7], $0x1, s3, s7, $0xb8;
	[tilespmem:$0x9440] =	vst v63  }
0xe: {  	s11 =	simm.s32 $0x2200  }
0xf: {  	[tilespmem:s11], [sflag:$0x1] =	stream.indirect.gather [hbm4b:s6+s7], $0x40, s7, s7, $0xb8;
	[tilespmem:$0x9440] =	vst v63  }
0x10: {  	s12 =	simm.s32 $0x8280  }
0x11: {  	[tilespmem:s12], [sflag:$0x2] =	stream.indirect.gather [hbm4b:s9+s7], $0x1, s7, s7, $0xb8;
	[tilespmem:$0x9440] =	vst v63  }
0x12: {  	s13 =	simm.s32 $0x100;
	s14 =	simm.s32 $0x4200  }
0x13: {  	[tilespmem:s14], [sflag:$0x1] =	stream.indirect.gather [hbm4b:s6+s7], $0x40, s13, s7, $0xb8;
	[tilespmem:$0x9440] =	vst v63  }
0x14: {  	s15 =	simm.s32 $0x8300  }
0x15: {  	[tilespmem:s15], [sflag:$0x2] =	stream.indirect.gather [hbm4b:s9+s7], $0x1, s13, s7, $0xb8;
	[tilespmem:$0x9440] =	vst v63  }
0x16: {  	s16 =	simm.s32 $0x180;
	s17 =	simm.s32 $0x6200  }
0x17: {  	[tilespmem:s17], [sflag:$0x1] =	stream.indirect.gather [hbm4b:s6+s7], $0x40, s16, s7, $0xb8;
	[tilespmem:$0x9440] =	vst v63  }
0x18: {  	s18 =	simm.s32 $0x8380;
	p0 =	sne.s32 s1, $0x0  }
0x19: {  	[tilespmem:s18], [sflag:$0x2] =	stream.indirect.gather [hbm4b:s9+s7], $0x1, s16, s7, $0xb8;
	[tilespmem:$0x9440] =	vst v63  }
0x1a: {  	s19 =	simm.s32 @!p0 $0x0;
	s20 =	simm.s32 @!p0 $0x8400;
	s21 =	simm.s32 @!p0 $0x4  }
0x1b: {  	[tilespmem:s20], [sflag:$0x4] =	stream.linear.gather @!p0 [hbm4b:s2+s19], $0x40, $0x38;
	[tilespmem:$0x9440] =	vst v63  }
0x1c: {  	_ =	swait.ge @!p0 [sflag:s21], $0x40  }
0x1d: {  	s22 =	simm.s32 @!p0 $0x40;
	[sflag:s21] =	ssyncset.done @!p0 $0x0  }
0x1e: {  	s23 =	simm.s32 @!p0 $0x8440;
	s24 =	simm.s32 @!p0 $0x3;
	[sflag:s21] =	ssyncadd.s32 @!p0 $0xFFFFFFC0  }
0x1f: {  	[tilespmem:s23], [sflag:$0x3] =	stream.indirect.gather @!p0 [hbm4b:s6+s22], $0x40, s20, s22, $0xb8;
	[tilespmem:$0x9440] =	vst v63  }
0x20: {  	_ =	swait.ge @!p0 [sflag:s24], $0x1000  }
0x21: {  	[sflag:s24] =	ssyncset.done @!p0 $0x0  }
0x22: {  	s25 =	sadd.s32 $0x5600, s31;
	[sflag:s24] =	ssyncadd.s32 @!p0 $0xFFFFF000  }
0x23: {  	[hbm4b:s25+s19] =	stream.linear.scatter @!p0 [tilespmem:s23], [sflag:$0x4], $0x1000, $0x38;
	[tilespmem:$0x9440] =	vst v63  }
0x24: {  	_ =	swait.ge @!p0 [sflag:s21], $0x1000  }
0x25: {  	[sflag:s21] =	ssyncset.done @!p0 $0x0  }
0x26: {  	s26 =	simm.s32 $0x1;
	[sflag:s21] =	ssyncadd.s32 @!p0 $0xFFFFF000  }
0x27: {  	_ =	swait.ge [sflag:s26], $0x2000  }
0x28: {  	[sflag:s26] =	ssyncset.done $0x0  }
0x29: {  	s28 =	simm.s32 $0x2;
	[sflag:s26] =	ssyncadd.s32 $0xFFFFE000  }
0x2a: {  	_ =	swait.ge [sflag:s28], $0x80  }
0x2b: {  	[sflag:s28] =	ssyncset.done $0x0  }
0x2c: {  	[sflag:s28] =	ssyncadd.s32 $0xFFFFFF80  }
0x2d: {  	_ =	swait.ge [sflag:s26], $0x2000  }
0x2e: {  	[sflag:s26] =	ssyncset.done $0x0  }
0x2f: {  	[sflag:s26] =	ssyncadd.s32 $0xFFFFE000  }
0x30: {  	_ =	swait.ge [sflag:s28], $0x80  }
0x31: {  	[sflag:s28] =	ssyncset.done $0x0  }
0x32: {  	[sflag:s28] =	ssyncadd.s32 $0xFFFFFF80  }
0x33: {  	_ =	swait.ge [sflag:s26], $0x2000  }
0x34: {  	[sflag:s26] =	ssyncset.done $0x0  }
0x35: {  	[sflag:s26] =	ssyncadd.s32 $0xFFFFE000  }
0x36: {  	_ =	swait.ge [sflag:s28], $0x80  }
0x37: {  	[sflag:s28] =	ssyncset.done $0x0  }
0x38: {  	[sflag:s28] =	ssyncadd.s32 $0xFFFFFF80  }
0x39: {  	s1 =	sshll.u32 s1, $0xC;
	_ =	swait.ge [sflag:s26], $0x2000  }
0x3a: {  	s1 =	sadd.s32 s1, s31;
	s31 =	ssub.s32 $0x2, s29;
	[sflag:s26] =	ssyncset.done $0x0  }
0x3b: {  	s29 =	sadd.s32 $0x6000, s1;
	s1 =	sshrl.u32 s31, $0x1;
	[sflag:s26] =	ssyncadd.s32 $0xFFFFE000  }
0x3c: {  	s1 =	ssub.s32 s31, s1;
	_ =	swait.ge [sflag:s28], $0x80  }
0x3d: {  	s1 =	smax.u32 s1, $0x1;
	[sflag:s28] =	ssyncset.done $0x0  }
0x3e: {  	s31 =	sadd.s32 $0xFFFFFFFF, s1;
	[sflag:s28] =	ssyncadd.s32 $0xFFFFFF80  }
0x3f: {  	[hbm4b:s29+s3] =	stream.linear.scatter [tilespmem:s8], [sflag:$0x4], $0x8000, $0x38;
	[tilespmem:$0x9440] =	vst v63  }
0x40: {  	p1 =	sne.s32 s31, $0x0;
	_ =	swait.ge [sflag:s4], $0x8000  }
.Ltmp0:
0x41: {  	[sflag:s4] =	ssyncset.done $0x0;
	(pc) =	sbr.rel @!p1 .LBB2_2-.Ltmp0, $4  }
0x42: {  	s30 =	sadd.s32 $0x5800, s30;
	[sflag:s4] =	ssyncadd.s32 $0xFFFF8000  }
0x43: {  	[hbm4b:s30+s3] =	stream.linear.scatter [tilespmem:s10], [sflag:$0x4], $0x200, $0x38;
	[tilespmem:$0x9440] =	vst v63  }
0x44: {  	_ =	swait.ge [sflag:s4], $0x200  }
0x45: {  	[sflag:s4] =	ssyncset.done $0x0  }
.LBB2_1:
0x46: {  	s31 =	sadd.s32 $0xFFFFFFFF, s31;
	[sflag:s4] =	ssyncadd.s32 $0xFFFFFE00  }
0x47: {  	[tilespmem:s3], [sflag:$0x4] =	stream.linear.gather [hbm4b:s5+s3], $0x200, $0x38;
	[tilespmem:$0x9440] =	vst v63  }
0x48: {  	p1 =	sne.s32 s31, $0x0;
	_ =	swait.ge [sflag:s4], $0x200  }
0x49: {  	[sflag:s4] =	ssyncset.done $0x0  }
0x4a: {  	[sflag:s4] =	ssyncadd.s32 $0xFFFFFE00  }
0x4b: {  	[tilespmem:s8], [sflag:$0x1] =	stream.indirect.gather [hbm4b:s6+s7], $0x40, s3, s7, $0xb8;
	[tilespmem:$0x9440] =	vst v63  }
0x4c: {  	_ = 	snop  }
0x4d: {  	[tilespmem:s10], [sflag:$0x2] =	stream.indirect.gather [hbm4b:s9+s7], $0x1, s3, s7, $0xb8;
	[tilespmem:$0x9440] =	vst v63  }
0x4e: {  	_ = 	snop  }
0x4f: {  	[tilespmem:s11], [sflag:$0x1] =	stream.indirect.gather [hbm4b:s6+s7], $0x40, s7, s7, $0xb8;
	[tilespmem:$0x9440] =	vst v63  }
0x50: {  	_ = 	snop  }
0x51: {  	[tilespmem:s12], [sflag:$0x2] =	stream.indirect.gather [hbm4b:s9+s7], $0x1, s7, s7, $0xb8;
	[tilespmem:$0x9440] =	vst v63  }
0x52: {  	_ = 	snop  }
0x53: {  	[tilespmem:s14], [sflag:$0x1] =	stream.indirect.gather [hbm4b:s6+s7], $0x40, s13, s7, $0xb8;
	[tilespmem:$0x9440] =	vst v63  }
0x54: {  	_ = 	snop  }
0x55: {  	[tilespmem:s15], [sflag:$0x2] =	stream.indirect.gather [hbm4b:s9+s7], $0x1, s13, s7, $0xb8;
	[tilespmem:$0x9440] =	vst v63  }
0x56: {  	_ = 	snop  }
0x57: {  	[tilespmem:s17], [sflag:$0x1] =	stream.indirect.gather [hbm4b:s6+s7], $0x40, s16, s7, $0xb8;
	[tilespmem:$0x9440] =	vst v63  }
0x58: {  	_ = 	snop  }
0x59: {  	[tilespmem:s18], [sflag:$0x2] =	stream.indirect.gather [hbm4b:s9+s7], $0x1, s16, s7, $0xb8;
	[tilespmem:$0x9440] =	vst v63  }
0x5a: {  	_ = 	snop  }
0x5b: {  	[tilespmem:s20], [sflag:$0x4] =	stream.linear.gather @!p0 [hbm4b:s2+s19], $0x40, $0x38;
	[tilespmem:$0x9440] =	vst v63  }
0x5c: {  	_ =	swait.ge @!p0 [sflag:s21], $0x40  }
0x5d: {  	[sflag:s21] =	ssyncset.done @!p0 $0x0  }
0x5e: {  	[sflag:s21] =	ssyncadd.s32 @!p0 $0xFFFFFFC0  }
0x5f: {  	[tilespmem:s23], [sflag:$0x3] =	stream.indirect.gather @!p0 [hbm4b:s6+s22], $0x40, s20, s22, $0xb8;
	[tilespmem:$0x9440] =	vst v63  }
0x60: {  	_ =	swait.ge @!p0 [sflag:s24], $0x1000  }
0x61: {  	[sflag:s24] =	ssyncset.done @!p0 $0x0  }
0x62: {  	[sflag:s24] =	ssyncadd.s32 @!p0 $0xFFFFF000  }
0x63: {  	[hbm4b:s25+s19] =	stream.linear.scatter @!p0 [tilespmem:s23], [sflag:$0x4], $0x1000, $0x38;
	[tilespmem:$0x9440] =	vst v63  }
0x64: {  	_ =	swait.ge @!p0 [sflag:s21], $0x1000  }
0x65: {  	[sflag:s21] =	ssyncset.done @!p0 $0x0  }
0x66: {  	[sflag:s21] =	ssyncadd.s32 @!p0 $0xFFFFF000  }
0x67: {  	_ =	swait.ge [sflag:s26], $0x2000  }
0x68: {  	[sflag:s26] =	ssyncset.done $0x0  }
0x69: {  	[sflag:s26] =	ssyncadd.s32 $0xFFFFE000  }
0x6a: {  	_ =	swait.ge [sflag:s28], $0x80  }
0x6b: {  	[sflag:s28] =	ssyncset.done $0x0  }
0x6c: {  	[sflag:s28] =	ssyncadd.s32 $0xFFFFFF80  }
0x6d: {  	_ =	swait.ge [sflag:s26], $0x2000  }
0x6e: {  	[sflag:s26] =	ssyncset.done $0x0  }
0x6f: {  	[sflag:s26] =	ssyncadd.s32 $0xFFFFE000  }
0x70: {  	_ =	swait.ge [sflag:s28], $0x80  }
0x71: {  	[sflag:s28] =	ssyncset.done $0x0  }
0x72: {  	[sflag:s28] =	ssyncadd.s32 $0xFFFFFF80  }
0x73: {  	_ =	swait.ge [sflag:s26], $0x2000  }
0x74: {  	[sflag:s26] =	ssyncset.done $0x0  }
0x75: {  	[sflag:s26] =	ssyncadd.s32 $0xFFFFE000  }
0x76: {  	_ =	swait.ge [sflag:s28], $0x80  }
0x77: {  	[sflag:s28] =	ssyncset.done $0x0  }
0x78: {  	[sflag:s28] =	ssyncadd.s32 $0xFFFFFF80  }
0x79: {  	_ =	swait.ge [sflag:s26], $0x2000  }
0x7a: {  	[sflag:s26] =	ssyncset.done $0x0  }
0x7b: {  	[sflag:s26] =	ssyncadd.s32 $0xFFFFE000  }
0x7c: {  	_ =	swait.ge [sflag:s28], $0x80  }
0x7d: {  	[sflag:s28] =	ssyncset.done $0x0  }
0x7e: {  	[sflag:s28] =	ssyncadd.s32 $0xFFFFFF80  }
0x7f: {  	[hbm4b:s29+s3] =	stream.linear.scatter [tilespmem:s8], [sflag:$0x4], $0x8000, $0x38;
	[tilespmem:$0x9440] =	vst v63  }
0x80: {  	_ =	swait.ge [sflag:s4], $0x8000  }
.Ltmp1:
0x81: {  	[sflag:s4] =	ssyncset.done $0x0;
	(pc) =	sbr.rel @p1 .LBB2_1-.Ltmp1, $4  }
0x82: {  	[sflag:s4] =	ssyncadd.s32 $0xFFFF8000  }
0x83: {  	[hbm4b:s30+s3] =	stream.linear.scatter [tilespmem:s10], [sflag:$0x4], $0x200, $0x38;
	[tilespmem:$0x9440] =	vst v63  }
0x84: {  	_ =	swait.ge [sflag:s4], $0x200  }
0x85: {  	[sflag:s4] =	ssyncset.done $0x0  }
.LBB2_2:
0x86: {  	[sflag:s4] =	ssyncadd.s32 $0xFFFFFE00  }
0x87: {  	_ =	sfence.sel $0x180000  }
0x88: {  	[bflag:$0x0] =	sbarrier.arrive $0xFFFF  }
0x89: {  	_ =	strace $0x90000047  }
0x8a: {  	[bflag:$0x2] =	sbarrier.arrive $0xFFFF  }
0x8b: {  	p0 =	sne.s32 s0, $0x0;
	s0 =	rddreg [dreg:$0x2]  }
0x8c: {  	s0 =	sadd.s32 @!p0 $0x100000, s0  }
0x8d: {  	[sflag:s0] =	ssyncadd.tile.s32 @!p0 $0x1;
	_ =	shalt  }
.Lfunc_end2:
_tile_overlayer_lowered:
.L_overlay_start_2:
0x8e: {  	(tag) =	ssettag $0x2  }
0x8f: {  	s0 =	rddreg [dreg:$0x0];
	s2 =	stileid.u32  }
0x90: {  	s1 =	rddreg [dreg:$0x1];
	p0 =	sne.s32 s2, $0x0  }
0x91: {  	s3 =	rddreg [dreg:$0x2];
	[bflag:$0x3] =	sbarrier.arrive $0xFFFF;
	s2 =	simm.s32 @!p0 $0x1C04  }
0x92: {  	[timem:s3], [sflag:s2] =	dma.local @!p0 [hbm:s0], s1  }
0x93: {  	s0 =	simm.s32 @!p0 $0x4  }
0x94: {  	_ =	swait.ge @!p0 [sflag:s0], s1  }
0x95: {  	s1 =	ssub.s32 @!p0 $0x0, s1;
	[sflag:s0] =	ssyncset.done @!p0 $0x0  }
0x96: {  	[sflag:s0] =	ssyncadd.s32 @!p0 s1  }
0x97: {  	[bflag:$0x3] =	sbarrier.arrive $0xFFFF  }
0x98: {  	_ =	shalt  }

</sc_bundles>
